<compile_context>
chip_gen: v7x
topology: tpu7x:2x2x1
jax: 0.10.2.dev20260603
libtpu: 0.0.44.dev20260713+nightly
codegen_flags: <defaults>
</compile_context>

<pallas_src>
import functools

import numpy as np
import jax
import jax.numpy as jnp
from jax import lax
from jax.experimental import pallas as pl
from jax.experimental.pallas import tpu as pltpu
from jax.experimental.pallas import tpu_sc as plsc

_B = 16384
_EMB = 64
_PACK_R = 4096
_HU = 253952
_HC = 28672

_NC, _NS = 2, 16
_NW = _NC * _NS
_BPW = _B // _NW
_CH = 128
_NCHUNK = _BPW // _CH

_TILE = 4096


def _pack_body(t0_ref, t1_ref, t2_ref, t3_ref, out_ref):
    def bits16(ref):
        b = lax.bitcast_convert_type(ref[...], jnp.int32)
        return ((b + 0x8000) >> 16) & 0xFFFF

    w01 = (bits16(t1_ref) << 16) | bits16(t0_ref)
    w23 = (bits16(t3_ref) << 16) | bits16(t2_ref)
    w = jnp.concatenate([w01, w23], axis=0)
    out_ref[...] = w.T


def _pack_call(tab_t, h):
    grid = h // _PACK_R
    hb = h // _PACK_R
    last = (tab_t.shape[1] + _PACK_R - 1) // _PACK_R - 1
    spec = lambda k: pl.BlockSpec(
        (_EMB, _PACK_R), lambda i: (0, jnp.minimum(i + k * hb, last)))
    return pl.pallas_call(
        _pack_body,
        grid=(grid,),
        in_specs=[pl.BlockSpec((_EMB, _PACK_R), lambda i: (0, i)),
                  spec(1), spec(2), spec(3)],
        out_specs=pl.BlockSpec((_PACK_R, 2 * _EMB), lambda i: (i, 0)),
        out_shape=jax.ShapeDtypeStruct((h, 2 * _EMB), jnp.int32),
    )(tab_t, tab_t, tab_t, tab_t)


def _sc_gather_body(tab, ids, out, idx, rows, sem):
    wid = lax.axis_index("s") * _NC + lax.axis_index("c")
    base = wid * _BPW
    pltpu.sync_copy(ids.at[wid], idx)
    copies = [pltpu.async_copy(
        tab.at[idx.at[j]], rows.at[pl.ds(j * _CH, _CH)], sem)
        for j in range(_NCHUNK)]
    for cp in copies:
        cp.wait()
    pltpu.sync_copy(rows, out.at[pl.ds(base, _BPW)])


@functools.cache
def _sc_gather():
    return pl.kernel(
        _sc_gather_body,
        out_type=jax.ShapeDtypeStruct((_B, 2 * _EMB), jnp.int32),
        mesh=plsc.VectorSubcoreMesh(core_axis_name="c", subcore_axis_name="s"),
        compiler_params=pltpu.CompilerParams(use_tc_tiling_on_sc=True),
        scratch_types=[
            pltpu.VMEM((_NCHUNK, _CH), jnp.int32),
            pltpu.VMEM((_BPW, 2 * _EMB), jnp.int32),
            pltpu.SemaphoreType.DMA,
        ],
    )


def _mlp_body(u_ref, c_ref, code_ref,
              w0u, w0c, w1, w2, w3,
              b0, b1, b2, b3, g0, g1, g2, be0, be1, be2, out_ref):
    s = np.float32(1.0 / np.sqrt(1.0 + 1e-5))

    def dot_t(x, w):
        return lax.dot_general(x, w, (((1,), (0,)), ((), ())),
                               preferred_element_type=jnp.float32)

    code = code_ref[...][:, :1]

    def select(q_ref, shift):
        q = q_ref[...]
        sb0 = (code >> shift) & 1
        sb1 = (code >> (shift + 1)) & 1
        w = jnp.where(sb1 > 0, q[:, _EMB:], q[:, :_EMB])
        bits = jnp.where(sb0 > 0, w & jnp.int32(-65536), w << 16)
        return lax.bitcast_convert_type(bits, jnp.float32)

    u = select(u_ref, 0)
    c = select(c_ref, 2)
    h = dot_t(u, w0u[...]) + dot_t(c, w0c[...])
    h = jnp.maximum(h + b0[...], 0.0) * (g0[...] * s) + be0[...]
    h = dot_t(h, w1[...])
    h = jnp.maximum(h + b1[...], 0.0) * (g1[...] * s) + be1[...]
    h = dot_t(h, w2[...])
    h = jnp.maximum(h + b2[...], 0.0) * (g2[...] * s) + be2[...]
    h = dot_t(h, w3[...]) + b3[...]
    out_ref[...] = lax.transpose(jax.nn.sigmoid(h), (1, 0))


def _mlp_call(u_emb, c_emb, code, wb):
    full = lambda shape: pl.BlockSpec(shape, lambda i: (0, 0))
    return pl.pallas_call(
        _mlp_body,
        grid=(_B // _TILE,),
        in_specs=[
            pl.BlockSpec((_TILE, 2 * _EMB), lambda i: (i, 0)),
            pl.BlockSpec((_TILE, 2 * _EMB), lambda i: (i, 0)),
            pl.BlockSpec((_TILE, 8), lambda i: (i, 0)),
        ] + [full(w.shape) for w in wb],
        out_specs=pl.BlockSpec((8, _TILE), lambda i: (0, i)),
        out_shape=jax.ShapeDtypeStruct((8, _B), jnp.float32),
    )(u_emb, c_emb, code, *wb)


def kernel(user_ids, course_ids, params):
    user_ids = jnp.asarray(user_ids, jnp.int32)
    course_ids = jnp.asarray(course_ids, jnp.int32)
    u_quad = _pack_call(params['user_table'].T, _HU)
    c_quad = _pack_call(params['course_table'].T, _HC)
    uj = user_ids // _HU
    cj = course_ids // _HC
    uids = (user_ids - uj * _HU).reshape(_NW, _NCHUNK, _CH)
    cids = (course_ids - cj * _HC).reshape(_NW, _NCHUNK, _CH)
    u_emb = _sc_gather()(u_quad, uids)
    c_emb = _sc_gather()(c_quad, cids)
    code = jnp.broadcast_to((uj | (cj << 2)).reshape(_B, 1), (_B, 8))
    p = params
    row = lambda v: v.reshape(1, -1)
    w3p = jnp.pad(p['W3'], ((0, 7), (0, 0)))
    b3p = jnp.pad(p['b3'], (0, 7)).reshape(1, 8)
    wb = (p['W0'][:, :_EMB].T, p['W0'][:, _EMB:].T, p['W1'].T, p['W2'].T,
          w3p.T,
          row(p['b0']), row(p['b1']), row(p['b2']), b3p,
          row(p['gamma0']), row(p['gamma1']), row(p['gamma2']),
          row(p['beta0']), row(p['beta1']), row(p['beta2']))
    out = _mlp_call(u_emb, c_emb, code, wb)
    return out[0]

# --- scband reference (transcript-rebuilt; emitter-appended) ---
"""Pipeline reference for scband-neural-collaborative-filtering-67843303407930 (READ-ONLY COPY).

The authoritative reference and input builder live on the scoring server;
editing this copy changes nothing except your own understanding.
"""

import jax, jax.numpy as jnp
import numpy as np

NUM_USERS = 1000000
NUM_COURSES = 100000
EMB = 64
HIDDEN = [128, 64, 32]
B = 16384


def setup_inputs(seed: int = 0) -> dict:
    key = jax.random.key(seed)
    ks = jax.random.split(key, 16)
    user_ids = jax.random.randint(ks[0], (B,), 0, NUM_USERS)
    course_ids = jax.random.randint(ks[1], (B,), 0, NUM_COURSES)
    params = {}
    params['user_table'] = jax.random.normal(ks[2], (NUM_USERS, EMB), dtype=jnp.float32) * 0.01
    params['course_table'] = jax.random.normal(ks[3], (NUM_COURSES, EMB), dtype=jnp.float32) * 0.01
    dims = [2 * EMB] + HIDDEN + [1]
    for i in range(len(dims) - 1):
        fan_in, fan_out = dims[i], dims[i + 1]
        limit = float(np.sqrt(6.0 / (fan_in + fan_out)))
        params[f'W{i}'] = jax.random.uniform(ks[4 + i], (fan_out, fan_in), minval=-limit, maxval=limit, dtype=jnp.float32)
        params[f'b{i}'] = jnp.zeros((fan_out,), dtype=jnp.float32)
    for i, h in enumerate(HIDDEN):
        params[f'gamma{i}'] = jnp.ones((h,), dtype=jnp.float32)
        params[f'beta{i}'] = jnp.zeros((h,), dtype=jnp.float32)
    return {'user_ids': user_ids, 'course_ids': course_ids, 'params': params}


def reference(user_ids, course_ids, params):
    # Embedding lookups (SparseCore gathers)
    user_emb = jnp.take(params['user_table'], user_ids, axis=0)
    course_emb = jnp.take(params['course_table'], course_ids, axis=0)
    x = jnp.concatenate([user_emb, course_emb], axis=1)
    eps = 1e-5
    # Hidden layers: Linear -> ReLU -> BatchNorm1d (eval mode: running_mean=0, running_var=1) -> Dropout (identity in eval)
    for i in range(len(HIDDEN)):
        x = x @ params[f'W{i}'].T + params[f'b{i}']
        x = jax.nn.relu(x)
        x = (x - 0.0) / jnp.sqrt(1.0 + eps) * params[f'gamma{i}'] + params[f'beta{i}']
    n = len(HIDDEN)
    x = x @ params[f'W{n}'].T + params[f'b{n}']
    x = jax.nn.sigmoid(x)
    return jnp.squeeze(x)

if __name__ == "__main__":
    import jax
    _d = setup_inputs()
    print(jax.jit(kernel)(*tuple(_d.values())))

</pallas_src>

<mosaic_0001>
#map = affine_map<(d0, d1) -> (0, 0)>
#map1 = affine_map<(d0, d1) -> (0, 0, 0)>
module attributes {stable_mosaic.version = 14 : i64} {
  func.func @_sc_gather_body(%arg0: i32, %arg1: i32, %arg2: memref<28672x128xi32, #tpu.memory_space<hbm>>, %arg3: memref<32x4x128xi32, #tpu.memory_space<hbm>>, %arg4: memref<16384x128xi32, #tpu.memory_space<hbm>>, %arg5: memref<4x128xi32, #tpu.memory_space<vmem>>, %arg6: memref<512x128xi32, #tpu.memory_space<vmem>>, %arg7: memref<!tpu.dma_semaphore, #tpu.memory_space<semaphore_mem>>) attributes {dimension_semantics = [#tpu.dimension_semantics<core_parallel>, #tpu.dimension_semantics<subcore_parallel>], iteration_bounds = array<i64: 2, 16>, scalar_prefetch = 0 : i64, scratch_operands = 3 : i64, tpu.core_type = #tpu.core_type<sc_vector_subcore>, window_params = [{transform_indices = #map}, {transform_indices = #map1}, {transform_indices = #map}]} {
    %mul3A = arith.constant 2 : i32
    %mul3A_0 = arith.muli %arg1, %mul3A : i32
    %add3A = arith.addi %mul3A_0, %arg0 : i32
    %mul3A_1 = arith.constant 512 : i32
    %mul3A_2 = arith.muli %add3A, %mul3A_1 : i32
    "tpu.region"() ({
      %run_scoped3A = tpu.sem_alloc : memref<!tpu.dma_semaphore, #tpu.memory_space<semaphore_mem>>
      %dma_start3A_81 = arith.constant 0 : i32
      %dma_start3A_82 = arith.constant 0 : i32
      %dma_start3A_83 = tpu.memref_slice %arg3[%add3A, %dma_start3A_81, %dma_start3A_82] : memref<32x4x128xi32, #tpu.memory_space<hbm>> -> memref<1x4x128xi32, #tpu.memory_space<hbm>>
      %dma_start3A_84 = tpu.memref_squeeze %dma_start3A_83 : memref<1x4x128xi32, #tpu.memory_space<hbm>> -> memref<4x128xi32, #tpu.memory_space<hbm>>
      %dma_start3A_85 = arith.constant 0 : i32
      %dma_start3A_86 = arith.constant 0 : i32
      %dma_start3A_87 = tpu.memref_slice %arg3[%add3A, %dma_start3A_85, %dma_start3A_86] : memref<32x4x128xi32, #tpu.memory_space<hbm>> -> memref<1x4x128xi32, #tpu.memory_space<hbm>>
      %dma_start3A_88 = tpu.memref_squeeze %dma_start3A_87 : memref<1x4x128xi32, #tpu.memory_space<hbm>> -> memref<4x128xi32, #tpu.memory_space<hbm>>
      tpu.enqueue_dma source(%dma_start3A_88 : memref<4x128xi32, #tpu.memory_space<hbm>>) target(%arg5 : memref<4x128xi32, #tpu.memory_space<vmem>>) target_semaphore(%run_scoped3A : memref<!tpu.dma_semaphore, #tpu.memory_space<semaphore_mem>>)
      %dma_wait3A_89 = arith.constant 0 : i32
      %dma_wait3A_90 = arith.constant 0 : i32
      %dma_wait3A_91 = tpu.memref_slice %arg3[%add3A, %dma_wait3A_89, %dma_wait3A_90] : memref<32x4x128xi32, #tpu.memory_space<hbm>> -> memref<1x4x128xi32, #tpu.memory_space<hbm>>
      %dma_wait3A_92 = tpu.memref_squeeze %dma_wait3A_91 : memref<1x4x128xi32, #tpu.memory_space<hbm>> -> memref<4x128xi32, #tpu.memory_space<hbm>>
      %dma_wait3A_93 = arith.constant 0 : i32
      %dma_wait3A_94 = arith.constant 0 : i32
      %dma_wait3A_95 = tpu.memref_slice %arg3[%add3A, %dma_wait3A_93, %dma_wait3A_94] : memref<32x4x128xi32, #tpu.memory_space<hbm>> -> memref<1x4x128xi32, #tpu.memory_space<hbm>>
      %dma_wait3A_96 = tpu.memref_squeeze %dma_wait3A_95 : memref<1x4x128xi32, #tpu.memory_space<hbm>> -> memref<4x128xi32, #tpu.memory_space<hbm>>
      tpu.wait_dma2 semaphore(%run_scoped3A : memref<!tpu.dma_semaphore, #tpu.memory_space<semaphore_mem>>) src(%dma_wait3A_96 : memref<4x128xi32, #tpu.memory_space<hbm>>) dst(%arg5 : memref<4x128xi32, #tpu.memory_space<vmem>>)
      tpu.yield
    }) : () -> ()
    %dma_start3A = arith.constant 0 : i32
    %dma_start3A_3 = arith.constant 0 : i32
    %dma_start3A_4 = arith.constant 0 : i32
    %dma_start3A_5 = tpu.memref_slice %arg6[%dma_start3A_3, %dma_start3A_4] : memref<512x128xi32, #tpu.memory_space<vmem>> -> memref<128x128xi32, #tpu.memory_space<vmem>>
    %dma_start3A_6 = arith.constant 0 : i32
    %dma_start3A_7 = tpu.memref_slice %arg5[%dma_start3A, %dma_start3A_6] : memref<4x128xi32, #tpu.memory_space<vmem>> -> memref<1x128xi32, #tpu.memory_space<vmem>>
    %dma_start3A_8 = tpu.memref_squeeze %dma_start3A_7 : memref<1x128xi32, #tpu.memory_space<vmem>> -> memref<128xi32, #tpu.memory_space<vmem>>
    %dma_start3A_9 = arith.constant 0 : i32
    %dma_start3A_10 = arith.constant 0 : i32
    %dma_start3A_11 = tpu.memref_slice %arg2[%dma_start3A_9, %dma_start3A_10] : memref<28672x128xi32, #tpu.memory_space<hbm>> -> memref<28672x128xi32, #tpu.memory_space<hbm>>
    tpu.enqueue_indirect_dma source(%dma_start3A_11 : memref<28672x128xi32, #tpu.memory_space<hbm>>) target(%dma_start3A_5 : memref<128x128xi32, #tpu.memory_space<vmem>>) offsets(%dma_start3A_8 : memref<128xi32, #tpu.memory_space<vmem>>) semaphore(%arg7 : memref<!tpu.dma_semaphore, #tpu.memory_space<semaphore_mem>>)
    %dma_start3A_12 = arith.constant 1 : i32
    %dma_start3A_13 = arith.constant 128 : i32
    %dma_start3A_14 = arith.constant 0 : i32
    %dma_start3A_15 = tpu.memref_slice %arg6[%dma_start3A_13, %dma_start3A_14] : memref<512x128xi32, #tpu.memory_space<vmem>> -> memref<128x128xi32, #tpu.memory_space<vmem>>
    %dma_start3A_16 = arith.constant 0 : i32
    %dma_start3A_17 = tpu.memref_slice %arg5[%dma_start3A_12, %dma_start3A_16] : memref<4x128xi32, #tpu.memory_space<vmem>> -> memref<1x128xi32, #tpu.memory_space<vmem>>
    %dma_start3A_18 = tpu.memref_squeeze %dma_start3A_17 : memref<1x128xi32, #tpu.memory_space<vmem>> -> memref<128xi32, #tpu.memory_space<vmem>>
    %dma_start3A_19 = arith.constant 0 : i32
    %dma_start3A_20 = arith.constant 0 : i32
    %dma_start3A_21 = tpu.memref_slice %arg2[%dma_start3A_19, %dma_start3A_20] : memref<28672x128xi32, #tpu.memory_space<hbm>> -> memref<28672x128xi32, #tpu.memory_space<hbm>>
    tpu.enqueue_indirect_dma source(%dma_start3A_21 : memref<28672x128xi32, #tpu.memory_space<hbm>>) target(%dma_start3A_15 : memref<128x128xi32, #tpu.memory_space<vmem>>) offsets(%dma_start3A_18 : memref<128xi32, #tpu.memory_space<vmem>>) semaphore(%arg7 : memref<!tpu.dma_semaphore, #tpu.memory_space<semaphore_mem>>)
    %dma_start3A_22 = arith.constant 2 : i32
    %dma_start3A_23 = arith.constant 256 : i32
    %dma_start3A_24 = arith.constant 0 : i32
    %dma_start3A_25 = tpu.memref_slice %arg6[%dma_start3A_23, %dma_start3A_24] : memref<512x128xi32, #tpu.memory_space<vmem>> -> memref<128x128xi32, #tpu.memory_space<vmem>>
    %dma_start3A_26 = arith.constant 0 : i32
    %dma_start3A_27 = tpu.memref_slice %arg5[%dma_start3A_22, %dma_start3A_26] : memref<4x128xi32, #tpu.memory_space<vmem>> -> memref<1x128xi32, #tpu.memory_space<vmem>>
    %dma_start3A_28 = tpu.memref_squeeze %dma_start3A_27 : memref<1x128xi32, #tpu.memory_space<vmem>> -> memref<128xi32, #tpu.memory_space<vmem>>
    %dma_start3A_29 = arith.constant 0 : i32
    %dma_start3A_30 = arith.constant 0 : i32
    %dma_start3A_31 = tpu.memref_slice %arg2[%dma_start3A_29, %dma_start3A_30] : memref<28672x128xi32, #tpu.memory_space<hbm>> -> memref<28672x128xi32, #tpu.memory_space<hbm>>
    tpu.enqueue_indirect_dma source(%dma_start3A_31 : memref<28672x128xi32, #tpu.memory_space<hbm>>) target(%dma_start3A_25 : memref<128x128xi32, #tpu.memory_space<vmem>>) offsets(%dma_start3A_28 : memref<128xi32, #tpu.memory_space<vmem>>) semaphore(%arg7 : memref<!tpu.dma_semaphore, #tpu.memory_space<semaphore_mem>>)
    %dma_start3A_32 = arith.constant 3 : i32
    %dma_start3A_33 = arith.constant 384 : i32
    %dma_start3A_34 = arith.constant 0 : i32
    %dma_start3A_35 = tpu.memref_slice %arg6[%dma_start3A_33, %dma_start3A_34] : memref<512x128xi32, #tpu.memory_space<vmem>> -> memref<128x128xi32, #tpu.memory_space<vmem>>
    %dma_start3A_36 = arith.constant 0 : i32
    %dma_start3A_37 = tpu.memref_slice %arg5[%dma_start3A_32, %dma_start3A_36] : memref<4x128xi32, #tpu.memory_space<vmem>> -> memref<1x128xi32, #tpu.memory_space<vmem>>
    %dma_start3A_38 = tpu.memref_squeeze %dma_start3A_37 : memref<1x128xi32, #tpu.memory_space<vmem>> -> memref<128xi32, #tpu.memory_space<vmem>>
    %dma_start3A_39 = arith.constant 0 : i32
    %dma_start3A_40 = arith.constant 0 : i32
    %dma_start3A_41 = tpu.memref_slice %arg2[%dma_start3A_39, %dma_start3A_40] : memref<28672x128xi32, #tpu.memory_space<hbm>> -> memref<28672x128xi32, #tpu.memory_space<hbm>>
    tpu.enqueue_indirect_dma source(%dma_start3A_41 : memref<28672x128xi32, #tpu.memory_space<hbm>>) target(%dma_start3A_35 : memref<128x128xi32, #tpu.memory_space<vmem>>) offsets(%dma_start3A_38 : memref<128xi32, #tpu.memory_space<vmem>>) semaphore(%arg7 : memref<!tpu.dma_semaphore, #tpu.memory_space<semaphore_mem>>)
    %dma_wait3A = arith.constant 0 : i32
    %dma_wait3A_42 = arith.constant 0 : i32
    %dma_wait3A_43 = arith.constant 0 : i32
    %dma_wait3A_44 = tpu.memref_slice %arg6[%dma_wait3A_42, %dma_wait3A_43] : memref<512x128xi32, #tpu.memory_space<vmem>> -> memref<128x128xi32, #tpu.memory_space<vmem>>
    %dma_wait3A_45 = arith.constant 0 : i32
    %dma_wait3A_46 = tpu.memref_slice %arg5[%dma_wait3A, %dma_wait3A_45] : memref<4x128xi32, #tpu.memory_space<vmem>> -> memref<1x128xi32, #tpu.memory_space<vmem>>
    %dma_wait3A_47 = tpu.memref_squeeze %dma_wait3A_46 : memref<1x128xi32, #tpu.memory_space<vmem>> -> memref<128xi32, #tpu.memory_space<vmem>>
    %dma_wait3A_48 = arith.constant 0 : i32
    %dma_wait3A_49 = arith.constant 0 : i32
    %dma_wait3A_50 = tpu.memref_slice %arg2[%dma_wait3A_48, %dma_wait3A_49] : memref<28672x128xi32, #tpu.memory_space<hbm>> -> memref<28672x128xi32, #tpu.memory_space<hbm>>
    tpu.wait_indirect_dma semaphore(%arg7 : memref<!tpu.dma_semaphore, #tpu.memory_space<semaphore_mem>>) src(%dma_wait3A_50 : memref<28672x128xi32, #tpu.memory_space<hbm>>) dst(%dma_wait3A_44 : memref<128x128xi32, #tpu.memory_space<vmem>>)
    %dma_wait3A_51 = arith.constant 1 : i32
    %dma_wait3A_52 = arith.constant 128 : i32
    %dma_wait3A_53 = arith.constant 0 : i32
    %dma_wait3A_54 = tpu.memref_slice %arg6[%dma_wait3A_52, %dma_wait3A_53] : memref<512x128xi32, #tpu.memory_space<vmem>> -> memref<128x128xi32, #tpu.memory_space<vmem>>
    %dma_wait3A_55 = arith.constant 0 : i32
    %dma_wait3A_56 = tpu.memref_slice %arg5[%dma_wait3A_51, %dma_wait3A_55] : memref<4x128xi32, #tpu.memory_space<vmem>> -> memref<1x128xi32, #tpu.memory_space<vmem>>
    %dma_wait3A_57 = tpu.memref_squeeze %dma_wait3A_56 : memref<1x128xi32, #tpu.memory_space<vmem>> -> memref<128xi32, #tpu.memory_space<vmem>>
    %dma_wait3A_58 = arith.constant 0 : i32
    %dma_wait3A_59 = arith.constant 0 : i32
    %dma_wait3A_60 = tpu.memref_slice %arg2[%dma_wait3A_58, %dma_wait3A_59] : memref<28672x128xi32, #tpu.memory_space<hbm>> -> memref<28672x128xi32, #tpu.memory_space<hbm>>
    tpu.wait_indirect_dma semaphore(%arg7 : memref<!tpu.dma_semaphore, #tpu.memory_space<semaphore_mem>>) src(%dma_wait3A_60 : memref<28672x128xi32, #tpu.memory_space<hbm>>) dst(%dma_wait3A_54 : memref<128x128xi32, #tpu.memory_space<vmem>>)
    %dma_wait3A_61 = arith.constant 2 : i32
    %dma_wait3A_62 = arith.constant 256 : i32
    %dma_wait3A_63 = arith.constant 0 : i32
    %dma_wait3A_64 = tpu.memref_slice %arg6[%dma_wait3A_62, %dma_wait3A_63] : memref<512x128xi32, #tpu.memory_space<vmem>> -> memref<128x128xi32, #tpu.memory_space<vmem>>
    %dma_wait3A_65 = arith.constant 0 : i32
    %dma_wait3A_66 = tpu.memref_slice %arg5[%dma_wait3A_61, %dma_wait3A_65] : memref<4x128xi32, #tpu.memory_space<vmem>> -> memref<1x128xi32, #tpu.memory_space<vmem>>
    %dma_wait3A_67 = tpu.memref_squeeze %dma_wait3A_66 : memref<1x128xi32, #tpu.memory_space<vmem>> -> memref<128xi32, #tpu.memory_space<vmem>>
    %dma_wait3A_68 = arith.constant 0 : i32
    %dma_wait3A_69 = arith.constant 0 : i32
    %dma_wait3A_70 = tpu.memref_slice %arg2[%dma_wait3A_68, %dma_wait3A_69] : memref<28672x128xi32, #tpu.memory_space<hbm>> -> memref<28672x128xi32, #tpu.memory_space<hbm>>
    tpu.wait_indirect_dma semaphore(%arg7 : memref<!tpu.dma_semaphore, #tpu.memory_space<semaphore_mem>>) src(%dma_wait3A_70 : memref<28672x128xi32, #tpu.memory_space<hbm>>) dst(%dma_wait3A_64 : memref<128x128xi32, #tpu.memory_space<vmem>>)
    %dma_wait3A_71 = arith.constant 3 : i32
    %dma_wait3A_72 = arith.constant 384 : i32
    %dma_wait3A_73 = arith.constant 0 : i32
    %dma_wait3A_74 = tpu.memref_slice %arg6[%dma_wait3A_72, %dma_wait3A_73] : memref<512x128xi32, #tpu.memory_space<vmem>> -> memref<128x128xi32, #tpu.memory_space<vmem>>
    %dma_wait3A_75 = arith.constant 0 : i32
    %dma_wait3A_76 = tpu.memref_slice %arg5[%dma_wait3A_71, %dma_wait3A_75] : memref<4x128xi32, #tpu.memory_space<vmem>> -> memref<1x128xi32, #tpu.memory_space<vmem>>
    %dma_wait3A_77 = tpu.memref_squeeze %dma_wait3A_76 : memref<1x128xi32, #tpu.memory_space<vmem>> -> memref<128xi32, #tpu.memory_space<vmem>>
    %dma_wait3A_78 = arith.constant 0 : i32
    %dma_wait3A_79 = arith.constant 0 : i32
    %dma_wait3A_80 = tpu.memref_slice %arg2[%dma_wait3A_78, %dma_wait3A_79] : memref<28672x128xi32, #tpu.memory_space<hbm>> -> memref<28672x128xi32, #tpu.memory_space<hbm>>
    tpu.wait_indirect_dma semaphore(%arg7 : memref<!tpu.dma_semaphore, #tpu.memory_space<semaphore_mem>>) src(%dma_wait3A_80 : memref<28672x128xi32, #tpu.memory_space<hbm>>) dst(%dma_wait3A_74 : memref<128x128xi32, #tpu.memory_space<vmem>>)
    "tpu.region"() ({
      %run_scoped3A = tpu.sem_alloc : memref<!tpu.dma_semaphore, #tpu.memory_space<semaphore_mem>>
      %dma_start3A_81 = arith.constant 0 : i32
      %dma_start3A_82 = tpu.memref_slice %arg4[%mul3A_2, %dma_start3A_81] : memref<16384x128xi32, #tpu.memory_space<hbm>> -> memref<512x128xi32, #tpu.memory_space<hbm>>
      %dma_start3A_83 = arith.constant 0 : i32
      %dma_start3A_84 = tpu.memref_slice %arg4[%mul3A_2, %dma_start3A_83] : memref<16384x128xi32, #tpu.memory_space<hbm>> -> memref<512x128xi32, #tpu.memory_space<hbm>>
      tpu.enqueue_dma source(%arg6 : memref<512x128xi32, #tpu.memory_space<vmem>>) target(%dma_start3A_84 : memref<512x128xi32, #tpu.memory_space<hbm>>) target_semaphore(%run_scoped3A : memref<!tpu.dma_semaphore, #tpu.memory_space<semaphore_mem>>)
      %dma_wait3A_85 = arith.constant 0 : i32
      %dma_wait3A_86 = tpu.memref_slice %arg4[%mul3A_2, %dma_wait3A_85] : memref<16384x128xi32, #tpu.memory_space<hbm>> -> memref<512x128xi32, #tpu.memory_space<hbm>>
      %dma_wait3A_87 = arith.constant 0 : i32
      %dma_wait3A_88 = tpu.memref_slice %arg4[%mul3A_2, %dma_wait3A_87] : memref<16384x128xi32, #tpu.memory_space<hbm>> -> memref<512x128xi32, #tpu.memory_space<hbm>>
      tpu.wait_dma2 semaphore(%run_scoped3A : memref<!tpu.dma_semaphore, #tpu.memory_space<semaphore_mem>>) src(%arg6 : memref<512x128xi32, #tpu.memory_space<vmem>>) dst(%dma_wait3A_88 : memref<512x128xi32, #tpu.memory_space<hbm>>)
      tpu.yield
    }) : () -> ()
    return
  }
}

#map = affine_map<(d0, d1) -> (0, 0)>
#map1 = affine_map<(d0, d1) -> (0, 0, 0)>
module attributes {stable_mosaic.version = 14 : i64} {
  func.func @_sc_gather_body(%arg0: i32, %arg1: i32, %arg2: memref<253952x128xi32, #tpu.memory_space<hbm>>, %arg3: memref<32x4x128xi32, #tpu.memory_space<hbm>>, %arg4: memref<16384x128xi32, #tpu.memory_space<hbm>>, %arg5: memref<4x128xi32, #tpu.memory_space<vmem>>, %arg6: memref<512x128xi32, #tpu.memory_space<vmem>>, %arg7: memref<!tpu.dma_semaphore, #tpu.memory_space<semaphore_mem>>) attributes {dimension_semantics = [#tpu.dimension_semantics<core_parallel>, #tpu.dimension_semantics<subcore_parallel>], iteration_bounds = array<i64: 2, 16>, scalar_prefetch = 0 : i64, scratch_operands = 3 : i64, tpu.core_type = #tpu.core_type<sc_vector_subcore>, window_params = [{transform_indices = #map}, {transform_indices = #map1}, {transform_indices = #map}]} {
    %mul3A = arith.constant 2 : i32
    %mul3A_0 = arith.muli %arg1, %mul3A : i32
    %add3A = arith.addi %mul3A_0, %arg0 : i32
    %mul3A_1 = arith.constant 512 : i32
    %mul3A_2 = arith.muli %add3A, %mul3A_1 : i32
    "tpu.region"() ({
      %run_scoped3A = tpu.sem_alloc : memref<!tpu.dma_semaphore, #tpu.memory_space<semaphore_mem>>
      %dma_start3A_81 = arith.constant 0 : i32
      %dma_start3A_82 = arith.constant 0 : i32
      %dma_start3A_83 = tpu.memref_slice %arg3[%add3A, %dma_start3A_81, %dma_start3A_82] : memref<32x4x128xi32, #tpu.memory_space<hbm>> -> memref<1x4x128xi32, #tpu.memory_space<hbm>>
      %dma_start3A_84 = tpu.memref_squeeze %dma_start3A_83 : memref<1x4x128xi32, #tpu.memory_space<hbm>> -> memref<4x128xi32, #tpu.memory_space<hbm>>
      %dma_start3A_85 = arith.constant 0 : i32
      %dma_start3A_86 = arith.constant 0 : i32
      %dma_start3A_87 = tpu.memref_slice %arg3[%add3A, %dma_start3A_85, %dma_start3A_86] : memref<32x4x128xi32, #tpu.memory_space<hbm>> -> memref<1x4x128xi32, #tpu.memory_space<hbm>>
      %dma_start3A_88 = tpu.memref_squeeze %dma_start3A_87 : memref<1x4x128xi32, #tpu.memory_space<hbm>> -> memref<4x128xi32, #tpu.memory_space<hbm>>
      tpu.enqueue_dma source(%dma_start3A_88 : memref<4x128xi32, #tpu.memory_space<hbm>>) target(%arg5 : memref<4x128xi32, #tpu.memory_space<vmem>>) target_semaphore(%run_scoped3A : memref<!tpu.dma_semaphore, #tpu.memory_space<semaphore_mem>>)
      %dma_wait3A_89 = arith.constant 0 : i32
      %dma_wait3A_90 = arith.constant 0 : i32
      %dma_wait3A_91 = tpu.memref_slice %arg3[%add3A, %dma_wait3A_89, %dma_wait3A_90] : memref<32x4x128xi32, #tpu.memory_space<hbm>> -> memref<1x4x128xi32, #tpu.memory_space<hbm>>
      %dma_wait3A_92 = tpu.memref_squeeze %dma_wait3A_91 : memref<1x4x128xi32, #tpu.memory_space<hbm>> -> memref<4x128xi32, #tpu.memory_space<hbm>>
      %dma_wait3A_93 = arith.constant 0 : i32
      %dma_wait3A_94 = arith.constant 0 : i32
      %dma_wait3A_95 = tpu.memref_slice %arg3[%add3A, %dma_wait3A_93, %dma_wait3A_94] : memref<32x4x128xi32, #tpu.memory_space<hbm>> -> memref<1x4x128xi32, #tpu.memory_space<hbm>>
      %dma_wait3A_96 = tpu.memref_squeeze %dma_wait3A_95 : memref<1x4x128xi32, #tpu.memory_space<hbm>> -> memref<4x128xi32, #tpu.memory_space<hbm>>
      tpu.wait_dma2 semaphore(%run_scoped3A : memref<!tpu.dma_semaphore, #tpu.memory_space<semaphore_mem>>) src(%dma_wait3A_96 : memref<4x128xi32, #tpu.memory_space<hbm>>) dst(%arg5 : memref<4x128xi32, #tpu.memory_space<vmem>>)
      tpu.yield
    }) : () -> ()
    %dma_start3A = arith.constant 0 : i32
    %dma_start3A_3 = arith.constant 0 : i32
    %dma_start3A_4 = arith.constant 0 : i32
    %dma_start3A_5 = tpu.memref_slice %arg6[%dma_start3A_3, %dma_start3A_4] : memref<512x128xi32, #tpu.memory_space<vmem>> -> memref<128x128xi32, #tpu.memory_space<vmem>>
    %dma_start3A_6 = arith.constant 0 : i32
    %dma_start3A_7 = tpu.memref_slice %arg5[%dma_start3A, %dma_start3A_6] : memref<4x128xi32, #tpu.memory_space<vmem>> -> memref<1x128xi32, #tpu.memory_space<vmem>>
    %dma_start3A_8 = tpu.memref_squeeze %dma_start3A_7 : memref<1x128xi32, #tpu.memory_space<vmem>> -> memref<128xi32, #tpu.memory_space<vmem>>
    %dma_start3A_9 = arith.constant 0 : i32
    %dma_start3A_10 = arith.constant 0 : i32
    %dma_start3A_11 = tpu.memref_slice %arg2[%dma_start3A_9, %dma_start3A_10] : memref<253952x128xi32, #tpu.memory_space<hbm>> -> memref<253952x128xi32, #tpu.memory_space<hbm>>
    tpu.enqueue_indirect_dma source(%dma_start3A_11 : memref<253952x128xi32, #tpu.memory_space<hbm>>) target(%dma_start3A_5 : memref<128x128xi32, #tpu.memory_space<vmem>>) offsets(%dma_start3A_8 : memref<128xi32, #tpu.memory_space<vmem>>) semaphore(%arg7 : memref<!tpu.dma_semaphore, #tpu.memory_space<semaphore_mem>>)
    %dma_start3A_12 = arith.constant 1 : i32
    %dma_start3A_13 = arith.constant 128 : i32
    %dma_start3A_14 = arith.constant 0 : i32
    %dma_start3A_15 = tpu.memref_slice %arg6[%dma_start3A_13, %dma_start3A_14] : memref<512x128xi32, #tpu.memory_space<vmem>> -> memref<128x128xi32, #tpu.memory_space<vmem>>
    %dma_start3A_16 = arith.constant 0 : i32
    %dma_start3A_17 = tpu.memref_slice %arg5[%dma_start3A_12, %dma_start3A_16] : memref<4x128xi32, #tpu.memory_space<vmem>> -> memref<1x128xi32, #tpu.memory_space<vmem>>
    %dma_start3A_18 = tpu.memref_squeeze %dma_start3A_17 : memref<1x128xi32, #tpu.memory_space<vmem>> -> memref<128xi32, #tpu.memory_space<vmem>>
    %dma_start3A_19 = arith.constant 0 : i32
    %dma_start3A_20 = arith.constant 0 : i32
    %dma_start3A_21 = tpu.memref_slice %arg2[%dma_start3A_19, %dma_start3A_20] : memref<253952x128xi32, #tpu.memory_space<hbm>> -> memref<253952x128xi32, #tpu.memory_space<hbm>>
    tpu.enqueue_indirect_dma source(%dma_start3A_21 : memref<253952x128xi32, #tpu.memory_space<hbm>>) target(%dma_start3A_15 : memref<128x128xi32, #tpu.memory_space<vmem>>) offsets(%dma_start3A_18 : memref<128xi32, #tpu.memory_space<vmem>>) semaphore(%arg7 : memref<!tpu.dma_semaphore, #tpu.memory_space<semaphore_mem>>)
    %dma_start3A_22 = arith.constant 2 : i32
    %dma_start3A_23 = arith.constant 256 : i32
    %dma_start3A_24 = arith.constant 0 : i32
    %dma_start3A_25 = tpu.memref_slice %arg6[%dma_start3A_23, %dma_start3A_24] : memref<512x128xi32, #tpu.memory_space<vmem>> -> memref<128x128xi32, #tpu.memory_space<vmem>>
    %dma_start3A_26 = arith.constant 0 : i32
    %dma_start3A_27 = tpu.memref_slice %arg5[%dma_start3A_22, %dma_start3A_26] : memref<4x128xi32, #tpu.memory_space<vmem>> -> memref<1x128xi32, #tpu.memory_space<vmem>>
    %dma_start3A_28 = tpu.memref_squeeze %dma_start3A_27 : memref<1x128xi32, #tpu.memory_space<vmem>> -> memref<128xi32, #tpu.memory_space<vmem>>
    %dma_start3A_29 = arith.constant 0 : i32
    %dma_start3A_30 = arith.constant 0 : i32
    %dma_start3A_31 = tpu.memref_slice %arg2[%dma_start3A_29, %dma_start3A_30] : memref<253952x128xi32, #tpu.memory_space<hbm>> -> memref<253952x128xi32, #tpu.memory_space<hbm>>
    tpu.enqueue_indirect_dma source(%dma_start3A_31 : memref<253952x128xi32, #tpu.memory_space<hbm>>) target(%dma_start3A_25 : memref<128x128xi32, #tpu.memory_space<vmem>>) offsets(%dma_start3A_28 : memref<128xi32, #tpu.memory_space<vmem>>) semaphore(%arg7 : memref<!tpu.dma_semaphore, #tpu.memory_space<semaphore_mem>>)
    %dma_start3A_32 = arith.constant 3 : i32
    %dma_start3A_33 = arith.constant 384 : i32
    %dma_start3A_34 = arith.constant 0 : i32
    %dma_start3A_35 = tpu.memref_slice %arg6[%dma_start3A_33, %dma_start3A_34] : memref<512x128xi32, #tpu.memory_space<vmem>> -> memref<128x128xi32, #tpu.memory_space<vmem>>
    %dma_start3A_36 = arith.constant 0 : i32
    %dma_start3A_37 = tpu.memref_slice %arg5[%dma_start3A_32, %dma_start3A_36] : memref<4x128xi32, #tpu.memory_space<vmem>> -> memref<1x128xi32, #tpu.memory_space<vmem>>
    %dma_start3A_38 = tpu.memref_squeeze %dma_start3A_37 : memref<1x128xi32, #tpu.memory_space<vmem>> -> memref<128xi32, #tpu.memory_space<vmem>>
    %dma_start3A_39 = arith.constant 0 : i32
    %dma_start3A_40 = arith.constant 0 : i32
    %dma_start3A_41 = tpu.memref_slice %arg2[%dma_start3A_39, %dma_start3A_40] : memref<253952x128xi32, #tpu.memory_space<hbm>> -> memref<253952x128xi32, #tpu.memory_space<hbm>>
    tpu.enqueue_indirect_dma source(%dma_start3A_41 : memref<253952x128xi32, #tpu.memory_space<hbm>>) target(%dma_start3A_35 : memref<128x128xi32, #tpu.memory_space<vmem>>) offsets(%dma_start3A_38 : memref<128xi32, #tpu.memory_space<vmem>>) semaphore(%arg7 : memref<!tpu.dma_semaphore, #tpu.memory_space<semaphore_mem>>)
    %dma_wait3A = arith.constant 0 : i32
    %dma_wait3A_42 = arith.constant 0 : i32
    %dma_wait3A_43 = arith.constant 0 : i32
    %dma_wait3A_44 = tpu.memref_slice %arg6[%dma_wait3A_42, %dma_wait3A_43] : memref<512x128xi32, #tpu.memory_space<vmem>> -> memref<128x128xi32, #tpu.memory_space<vmem>>
    %dma_wait3A_45 = arith.constant 0 : i32
    %dma_wait3A_46 = tpu.memref_slice %arg5[%dma_wait3A, %dma_wait3A_45] : memref<4x128xi32, #tpu.memory_space<vmem>> -> memref<1x128xi32, #tpu.memory_space<vmem>>
    %dma_wait3A_47 = tpu.memref_squeeze %dma_wait3A_46 : memref<1x128xi32, #tpu.memory_space<vmem>> -> memref<128xi32, #tpu.memory_space<vmem>>
    %dma_wait3A_48 = arith.constant 0 : i32
    %dma_wait3A_49 = arith.constant 0 : i32
    %dma_wait3A_50 = tpu.memref_slice %arg2[%dma_wait3A_48, %dma_wait3A_49] : memref<253952x128xi32, #tpu.memory_space<hbm>> -> memref<253952x128xi32, #tpu.memory_space<hbm>>
    tpu.wait_indirect_dma semaphore(%arg7 : memref<!tpu.dma_semaphore, #tpu.memory_space<semaphore_mem>>) src(%dma_wait3A_50 : memref<253952x128xi32, #tpu.memory_space<hbm>>) dst(%dma_wait3A_44 : memref<128x128xi32, #tpu.memory_space<vmem>>)
    %dma_wait3A_51 = arith.constant 1 : i32
    %dma_wait3A_52 = arith.constant 128 : i32
    %dma_wait3A_53 = arith.constant 0 : i32
    %dma_wait3A_54 = tpu.memref_slice %arg6[%dma_wait3A_52, %dma_wait3A_53] : memref<512x128xi32, #tpu.memory_space<vmem>> -> memref<128x128xi32, #tpu.memory_space<vmem>>
    %dma_wait3A_55 = arith.constant 0 : i32
    %dma_wait3A_56 = tpu.memref_slice %arg5[%dma_wait3A_51, %dma_wait3A_55] : memref<4x128xi32, #tpu.memory_space<vmem>> -> memref<1x128xi32, #tpu.memory_space<vmem>>
    %dma_wait3A_57 = tpu.memref_squeeze %dma_wait3A_56 : memref<1x128xi32, #tpu.memory_space<vmem>> -> memref<128xi32, #tpu.memory_space<vmem>>
    %dma_wait3A_58 = arith.constant 0 : i32
    %dma_wait3A_59 = arith.constant 0 : i32
    %dma_wait3A_60 = tpu.memref_slice %arg2[%dma_wait3A_58, %dma_wait3A_59] : memref<253952x128xi32, #tpu.memory_space<hbm>> -> memref<253952x128xi32, #tpu.memory_space<hbm>>
    tpu.wait_indirect_dma semaphore(%arg7 : memref<!tpu.dma_semaphore, #tpu.memory_space<semaphore_mem>>) src(%dma_wait3A_60 : memref<253952x128xi32, #tpu.memory_space<hbm>>) dst(%dma_wait3A_54 : memref<128x128xi32, #tpu.memory_space<vmem>>)
    %dma_wait3A_61 = arith.constant 2 : i32
    %dma_wait3A_62 = arith.constant 256 : i32
    %dma_wait3A_63 = arith.constant 0 : i32
    %dma_wait3A_64 = tpu.memref_slice %arg6[%dma_wait3A_62, %dma_wait3A_63] : memref<512x128xi32, #tpu.memory_space<vmem>> -> memref<128x128xi32, #tpu.memory_space<vmem>>
    %dma_wait3A_65 = arith.constant 0 : i32
    %dma_wait3A_66 = tpu.memref_slice %arg5[%dma_wait3A_61, %dma_wait3A_65] : memref<4x128xi32, #tpu.memory_space<vmem>> -> memref<1x128xi32, #tpu.memory_space<vmem>>
    %dma_wait3A_67 = tpu.memref_squeeze %dma_wait3A_66 : memref<1x128xi32, #tpu.memory_space<vmem>> -> memref<128xi32, #tpu.memory_space<vmem>>
    %dma_wait3A_68 = arith.constant 0 : i32
    %dma_wait3A_69 = arith.constant 0 : i32
    %dma_wait3A_70 = tpu.memref_slice %arg2[%dma_wait3A_68, %dma_wait3A_69] : memref<253952x128xi32, #tpu.memory_space<hbm>> -> memref<253952x128xi32, #tpu.memory_space<hbm>>
    tpu.wait_indirect_dma semaphore(%arg7 : memref<!tpu.dma_semaphore, #tpu.memory_space<semaphore_mem>>) src(%dma_wait3A_70 : memref<253952x128xi32, #tpu.memory_space<hbm>>) dst(%dma_wait3A_64 : memref<128x128xi32, #tpu.memory_space<vmem>>)
    %dma_wait3A_71 = arith.constant 3 : i32
    %dma_wait3A_72 = arith.constant 384 : i32
    %dma_wait3A_73 = arith.constant 0 : i32
    %dma_wait3A_74 = tpu.memref_slice %arg6[%dma_wait3A_72, %dma_wait3A_73] : memref<512x128xi32, #tpu.memory_space<vmem>> -> memref<128x128xi32, #tpu.memory_space<vmem>>
    %dma_wait3A_75 = arith.constant 0 : i32
    %dma_wait3A_76 = tpu.memref_slice %arg5[%dma_wait3A_71, %dma_wait3A_75] : memref<4x128xi32, #tpu.memory_space<vmem>> -> memref<1x128xi32, #tpu.memory_space<vmem>>
    %dma_wait3A_77 = tpu.memref_squeeze %dma_wait3A_76 : memref<1x128xi32, #tpu.memory_space<vmem>> -> memref<128xi32, #tpu.memory_space<vmem>>
    %dma_wait3A_78 = arith.constant 0 : i32
    %dma_wait3A_79 = arith.constant 0 : i32
    %dma_wait3A_80 = tpu.memref_slice %arg2[%dma_wait3A_78, %dma_wait3A_79] : memref<253952x128xi32, #tpu.memory_space<hbm>> -> memref<253952x128xi32, #tpu.memory_space<hbm>>
    tpu.wait_indirect_dma semaphore(%arg7 : memref<!tpu.dma_semaphore, #tpu.memory_space<semaphore_mem>>) src(%dma_wait3A_80 : memref<253952x128xi32, #tpu.memory_space<hbm>>) dst(%dma_wait3A_74 : memref<128x128xi32, #tpu.memory_space<vmem>>)
    "tpu.region"() ({
      %run_scoped3A = tpu.sem_alloc : memref<!tpu.dma_semaphore, #tpu.memory_space<semaphore_mem>>
      %dma_start3A_81 = arith.constant 0 : i32
      %dma_start3A_82 = tpu.memref_slice %arg4[%mul3A_2, %dma_start3A_81] : memref<16384x128xi32, #tpu.memory_space<hbm>> -> memref<512x128xi32, #tpu.memory_space<hbm>>
      %dma_start3A_83 = arith.constant 0 : i32
      %dma_start3A_84 = tpu.memref_slice %arg4[%mul3A_2, %dma_start3A_83] : memref<16384x128xi32, #tpu.memory_space<hbm>> -> memref<512x128xi32, #tpu.memory_space<hbm>>
      tpu.enqueue_dma source(%arg6 : memref<512x128xi32, #tpu.memory_space<vmem>>) target(%dma_start3A_84 : memref<512x128xi32, #tpu.memory_space<hbm>>) target_semaphore(%run_scoped3A : memref<!tpu.dma_semaphore, #tpu.memory_space<semaphore_mem>>)
      %dma_wait3A_85 = arith.constant 0 : i32
      %dma_wait3A_86 = tpu.memref_slice %arg4[%mul3A_2, %dma_wait3A_85] : memref<16384x128xi32, #tpu.memory_space<hbm>> -> memref<512x128xi32, #tpu.memory_space<hbm>>
      %dma_wait3A_87 = arith.constant 0 : i32
      %dma_wait3A_88 = tpu.memref_slice %arg4[%mul3A_2, %dma_wait3A_87] : memref<16384x128xi32, #tpu.memory_space<hbm>> -> memref<512x128xi32, #tpu.memory_space<hbm>>
      tpu.wait_dma2 semaphore(%run_scoped3A : memref<!tpu.dma_semaphore, #tpu.memory_space<semaphore_mem>>) src(%arg6 : memref<512x128xi32, #tpu.memory_space<vmem>>) dst(%dma_wait3A_88 : memref<512x128xi32, #tpu.memory_space<hbm>>)
      tpu.yield
    }) : () -> ()
    return
  }
}

module attributes {stable_mosaic.version = 14 : i64} {
  func.func @_pack_body(%arg0: i32, %arg1: memref<64x4096xf32, #tpu.memory_space<vmem>>, %arg2: memref<64x4096xf32, #tpu.memory_space<vmem>>, %arg3: memref<64x4096xf32, #tpu.memory_space<vmem>>, %arg4: memref<64x4096xf32, #tpu.memory_space<vmem>>, %arg5: memref<4096x128xi32, #tpu.memory_space<vmem>>) attributes {dimension_semantics = [#tpu.dimension_semantics<arbitrary>], iteration_bounds = array<i64: 62>, scalar_prefetch = 0 : i64, scratch_operands = 0 : i64, tpu.core_type = #tpu.core_type<tc>, window_params = [{transform_indices = @transform_0, window_bounds = array<i64: 64, 4096>}, {transform_indices = @transform_1, window_bounds = array<i64: 64, 4096>}, {transform_indices = @transform_2, window_bounds = array<i64: 64, 4096>}, {transform_indices = @transform_3, window_bounds = array<i64: 64, 4096>}, {transform_indices = @transform_4, window_bounds = array<i64: 4096, 128>}]} {
    %get3A = arith.constant 0 : index
    %get3A_0 = arith.constant 0 : index
    %get3A_1 = vector.load %arg2[%get3A, %get3A_0] : memref<64x4096xf32, #tpu.memory_space<vmem>>, vector<64x4096xf32>
    %bitcast_convert_type3A = tpu.bitcast %get3A_1 : vector<64x4096xf32> -> vector<64x4096xi32>
    %add3A = arith.constant 32768 : i32
    %add3A_2 = vector.broadcast %add3A : i32 to vector<64x4096xi32>
    %add3A_3 = arith.addi %bitcast_convert_type3A, %add3A_2 : vector<64x4096xi32>
    %shift_right_arithmetic3A = arith.constant 16 : i32
    %shift_right_arithmetic3A_4 = vector.broadcast %shift_right_arithmetic3A : i32 to vector<64x4096xi32>
    %shift_right_arithmetic3A_5 = arith.shrsi %add3A_3, %shift_right_arithmetic3A_4 : vector<64x4096xi32>
    %and3A = arith.constant 65535 : i32
    %and3A_6 = vector.broadcast %and3A : i32 to vector<64x4096xi32>
    %and3A_7 = arith.andi %shift_right_arithmetic3A_5, %and3A_6 : vector<64x4096xi32>
    %shift_left3A = arith.constant 16 : i32
    %shift_left3A_8 = vector.broadcast %shift_left3A : i32 to vector<64x4096xi32>
    %shift_left3A_9 = arith.shli %and3A_7, %shift_left3A_8 : vector<64x4096xi32>
    %get3A_10 = arith.constant 0 : index
    %get3A_11 = arith.constant 0 : index
    %get3A_12 = vector.load %arg1[%get3A_10, %get3A_11] : memref<64x4096xf32, #tpu.memory_space<vmem>>, vector<64x4096xf32>
    %bitcast_convert_type3A_13 = tpu.bitcast %get3A_12 : vector<64x4096xf32> -> vector<64x4096xi32>
    %add3A_14 = arith.constant 32768 : i32
    %add3A_15 = vector.broadcast %add3A_14 : i32 to vector<64x4096xi32>
    %add3A_16 = arith.addi %bitcast_convert_type3A_13, %add3A_15 : vector<64x4096xi32>
    %shift_right_arithmetic3A_17 = arith.constant 16 : i32
    %shift_right_arithmetic3A_18 = vector.broadcast %shift_right_arithmetic3A_17 : i32 to vector<64x4096xi32>
    %shift_right_arithmetic3A_19 = arith.shrsi %add3A_16, %shift_right_arithmetic3A_18 : vector<64x4096xi32>
    %and3A_20 = arith.constant 65535 : i32
    %and3A_21 = vector.broadcast %and3A_20 : i32 to vector<64x4096xi32>
    %and3A_22 = arith.andi %shift_right_arithmetic3A_19, %and3A_21 : vector<64x4096xi32>
    %or3A = arith.ori %shift_left3A_9, %and3A_22 : vector<64x4096xi32>
    %get3A_23 = arith.constant 0 : index
    %get3A_24 = arith.constant 0 : index
    %get3A_25 = vector.load %arg4[%get3A_23, %get3A_24] : memref<64x4096xf32, #tpu.memory_space<vmem>>, vector<64x4096xf32>
    %bitcast_convert_type3A_26 = tpu.bitcast %get3A_25 : vector<64x4096xf32> -> vector<64x4096xi32>
    %add3A_27 = arith.constant 32768 : i32
    %add3A_28 = vector.broadcast %add3A_27 : i32 to vector<64x4096xi32>
    %add3A_29 = arith.addi %bitcast_convert_type3A_26, %add3A_28 : vector<64x4096xi32>
    %shift_right_arithmetic3A_30 = arith.constant 16 : i32
    %shift_right_arithmetic3A_31 = vector.broadcast %shift_right_arithmetic3A_30 : i32 to vector<64x4096xi32>
    %shift_right_arithmetic3A_32 = arith.shrsi %add3A_29, %shift_right_arithmetic3A_31 : vector<64x4096xi32>
    %and3A_33 = arith.constant 65535 : i32
    %and3A_34 = vector.broadcast %and3A_33 : i32 to vector<64x4096xi32>
    %and3A_35 = arith.andi %shift_right_arithmetic3A_32, %and3A_34 : vector<64x4096xi32>
    %shift_left3A_36 = arith.constant 16 : i32
    %shift_left3A_37 = vector.broadcast %shift_left3A_36 : i32 to vector<64x4096xi32>
    %shift_left3A_38 = arith.shli %and3A_35, %shift_left3A_37 : vector<64x4096xi32>
    %get3A_39 = arith.constant 0 : index
    %get3A_40 = arith.constant 0 : index
    %get3A_41 = vector.load %arg3[%get3A_39, %get3A_40] : memref<64x4096xf32, #tpu.memory_space<vmem>>, vector<64x4096xf32>
    %bitcast_convert_type3A_42 = tpu.bitcast %get3A_41 : vector<64x4096xf32> -> vector<64x4096xi32>
    %add3A_43 = arith.constant 32768 : i32
    %add3A_44 = vector.broadcast %add3A_43 : i32 to vector<64x4096xi32>
    %add3A_45 = arith.addi %bitcast_convert_type3A_42, %add3A_44 : vector<64x4096xi32>
    %shift_right_arithmetic3A_46 = arith.constant 16 : i32
    %shift_right_arithmetic3A_47 = vector.broadcast %shift_right_arithmetic3A_46 : i32 to vector<64x4096xi32>
    %shift_right_arithmetic3A_48 = arith.shrsi %add3A_45, %shift_right_arithmetic3A_47 : vector<64x4096xi32>
    %and3A_49 = arith.constant 65535 : i32
    %and3A_50 = vector.broadcast %and3A_49 : i32 to vector<64x4096xi32>
    %and3A_51 = arith.andi %shift_right_arithmetic3A_48, %and3A_50 : vector<64x4096xi32>
    %or3A_52 = arith.ori %shift_left3A_38, %and3A_51 : vector<64x4096xi32>
    %concatenate3A = tpu.concatenate %or3A, %or3A_52 in 0 : vector<64x4096xi32>, vector<64x4096xi32> -> vector<128x4096xi32>
    %transpose3A = tpu.transpose %concatenate3A, [1, 0] : vector<128x4096xi32> -> vector<4096x128xi32>
    %swap3A = arith.constant 0 : index
    %swap3A_53 = arith.constant 0 : index
    %swap3A_54 = vector.load %arg5[%swap3A, %swap3A_53] : memref<4096x128xi32, #tpu.memory_space<vmem>>, vector<4096x128xi32>
    tpu.vector_store %arg5[%swap3A, %swap3A_53], %transpose3A {strides = array<i32>} : memref<4096x128xi32, #tpu.memory_space<vmem>>, vector<4096x128xi32>,
    return
  }
  func.func @transform_0(%arg0: i32) -> (i32, i32) {
    %c0_i32 = arith.constant 0 : i32
    %c0_i32_0 = arith.constant 0 : i32
    return %c0_i32, %arg0 : i32, i32
  }
  func.func @transform_1(%arg0: i32) -> (i32, i32) {
    %add3A = arith.constant 62 : i32
    %add3A_0 = arith.addi %arg0, %add3A : i32
    %min3A = arith.constant 244 : i32
    %min3A_1 = arith.minsi %add3A_0, %min3A : i32
    %c0_i32 = arith.constant 0 : i32
    %c0_i32_2 = arith.constant 0 : i32
    return %c0_i32, %min3A_1 : i32, i32
  }
  func.func @transform_2(%arg0: i32) -> (i32, i32) {
    %add3A = arith.constant 124 : i32
    %add3A_0 = arith.addi %arg0, %add3A : i32
    %min3A = arith.constant 244 : i32
    %min3A_1 = arith.minsi %add3A_0, %min3A : i32
    %c0_i32 = arith.constant 0 : i32
    %c0_i32_2 = arith.constant 0 : i32
    return %c0_i32, %min3A_1 : i32, i32
  }
  func.func @transform_3(%arg0: i32) -> (i32, i32) {
    %add3A = arith.constant 186 : i32
    %add3A_0 = arith.addi %arg0, %add3A : i32
    %min3A = arith.constant 244 : i32
    %min3A_1 = arith.minsi %add3A_0, %min3A : i32
    %c0_i32 = arith.constant 0 : i32
    %c0_i32_2 = arith.constant 0 : i32
    return %c0_i32, %min3A_1 : i32, i32
  }
  func.func @transform_4(%arg0: i32) -> (i32, i32) {
    %c0_i32 = arith.constant 0 : i32
    %c0_i32_0 = arith.constant 0 : i32
    return %arg0, %c0_i32 : i32, i32
  }
}

module attributes {stable_mosaic.version = 14 : i64} {
  func.func @_pack_body(%arg0: i32, %arg1: memref<64x4096xf32, #tpu.memory_space<vmem>>, %arg2: memref<64x4096xf32, #tpu.memory_space<vmem>>, %arg3: memref<64x4096xf32, #tpu.memory_space<vmem>>, %arg4: memref<64x4096xf32, #tpu.memory_space<vmem>>, %arg5: memref<4096x128xi32, #tpu.memory_space<vmem>>) attributes {dimension_semantics = [#tpu.dimension_semantics<arbitrary>], iteration_bounds = array<i64: 7>, scalar_prefetch = 0 : i64, scratch_operands = 0 : i64, tpu.core_type = #tpu.core_type<tc>, window_params = [{transform_indices = @transform_0, window_bounds = array<i64: 64, 4096>}, {transform_indices = @transform_1, window_bounds = array<i64: 64, 4096>}, {transform_indices = @transform_2, window_bounds = array<i64: 64, 4096>}, {transform_indices = @transform_3, window_bounds = array<i64: 64, 4096>}, {transform_indices = @transform_4, window_bounds = array<i64: 4096, 128>}]} {
    %get3A = arith.constant 0 : index
    %get3A_0 = arith.constant 0 : index
    %get3A_1 = vector.load %arg2[%get3A, %get3A_0] : memref<64x4096xf32, #tpu.memory_space<vmem>>, vector<64x4096xf32>
    %bitcast_convert_type3A = tpu.bitcast %get3A_1 : vector<64x4096xf32> -> vector<64x4096xi32>
    %add3A = arith.constant 32768 : i32
    %add3A_2 = vector.broadcast %add3A : i32 to vector<64x4096xi32>
    %add3A_3 = arith.addi %bitcast_convert_type3A, %add3A_2 : vector<64x4096xi32>
    %shift_right_arithmetic3A = arith.constant 16 : i32
    %shift_right_arithmetic3A_4 = vector.broadcast %shift_right_arithmetic3A : i32 to vector<64x4096xi32>
    %shift_right_arithmetic3A_5 = arith.shrsi %add3A_3, %shift_right_arithmetic3A_4 : vector<64x4096xi32>
    %and3A = arith.constant 65535 : i32
    %and3A_6 = vector.broadcast %and3A : i32 to vector<64x4096xi32>
    %and3A_7 = arith.andi %shift_right_arithmetic3A_5, %and3A_6 : vector<64x4096xi32>
    %shift_left3A = arith.constant 16 : i32
    %shift_left3A_8 = vector.broadcast %shift_left3A : i32 to vector<64x4096xi32>
    %shift_left3A_9 = arith.shli %and3A_7, %shift_left3A_8 : vector<64x4096xi32>
    %get3A_10 = arith.constant 0 : index
    %get3A_11 = arith.constant 0 : index
    %get3A_12 = vector.load %arg1[%get3A_10, %get3A_11] : memref<64x4096xf32, #tpu.memory_space<vmem>>, vector<64x4096xf32>
    %bitcast_convert_type3A_13 = tpu.bitcast %get3A_12 : vector<64x4096xf32> -> vector<64x4096xi32>
    %add3A_14 = arith.constant 32768 : i32
    %add3A_15 = vector.broadcast %add3A_14 : i32 to vector<64x4096xi32>
    %add3A_16 = arith.addi %bitcast_convert_type3A_13, %add3A_15 : vector<64x4096xi32>
    %shift_right_arithmetic3A_17 = arith.constant 16 : i32
    %shift_right_arithmetic3A_18 = vector.broadcast %shift_right_arithmetic3A_17 : i32 to vector<64x4096xi32>
    %shift_right_arithmetic3A_19 = arith.shrsi %add3A_16, %shift_right_arithmetic3A_18 : vector<64x4096xi32>
    %and3A_20 = arith.constant 65535 : i32
    %and3A_21 = vector.broadcast %and3A_20 : i32 to vector<64x4096xi32>
    %and3A_22 = arith.andi %shift_right_arithmetic3A_19, %and3A_21 : vector<64x4096xi32>
    %or3A = arith.ori %shift_left3A_9, %and3A_22 : vector<64x4096xi32>
    %get3A_23 = arith.constant 0 : index
    %get3A_24 = arith.constant 0 : index
    %get3A_25 = vector.load %arg4[%get3A_23, %get3A_24] : memref<64x4096xf32, #tpu.memory_space<vmem>>, vector<64x4096xf32>
    %bitcast_convert_type3A_26 = tpu.bitcast %get3A_25 : vector<64x4096xf32> -> vector<64x4096xi32>
    %add3A_27 = arith.constant 32768 : i32
    %add3A_28 = vector.broadcast %add3A_27 : i32 to vector<64x4096xi32>
    %add3A_29 = arith.addi %bitcast_convert_type3A_26, %add3A_28 : vector<64x4096xi32>
    %shift_right_arithmetic3A_30 = arith.constant 16 : i32
    %shift_right_arithmetic3A_31 = vector.broadcast %shift_right_arithmetic3A_30 : i32 to vector<64x4096xi32>
    %shift_right_arithmetic3A_32 = arith.shrsi %add3A_29, %shift_right_arithmetic3A_31 : vector<64x4096xi32>
    %and3A_33 = arith.constant 65535 : i32
    %and3A_34 = vector.broadcast %and3A_33 : i32 to vector<64x4096xi32>
    %and3A_35 = arith.andi %shift_right_arithmetic3A_32, %and3A_34 : vector<64x4096xi32>
    %shift_left3A_36 = arith.constant 16 : i32
    %shift_left3A_37 = vector.broadcast %shift_left3A_36 : i32 to vector<64x4096xi32>
    %shift_left3A_38 = arith.shli %and3A_35, %shift_left3A_37 : vector<64x4096xi32>
    %get3A_39 = arith.constant 0 : index
    %get3A_40 = arith.constant 0 : index
    %get3A_41 = vector.load %arg3[%get3A_39, %get3A_40] : memref<64x4096xf32, #tpu.memory_space<vmem>>, vector<64x4096xf32>
    %bitcast_convert_type3A_42 = tpu.bitcast %get3A_41 : vector<64x4096xf32> -> vector<64x4096xi32>
    %add3A_43 = arith.constant 32768 : i32
    %add3A_44 = vector.broadcast %add3A_43 : i32 to vector<64x4096xi32>
    %add3A_45 = arith.addi %bitcast_convert_type3A_42, %add3A_44 : vector<64x4096xi32>
    %shift_right_arithmetic3A_46 = arith.constant 16 : i32
    %shift_right_arithmetic3A_47 = vector.broadcast %shift_right_arithmetic3A_46 : i32 to vector<64x4096xi32>
    %shift_right_arithmetic3A_48 = arith.shrsi %add3A_45, %shift_right_arithmetic3A_47 : vector<64x4096xi32>
    %and3A_49 = arith.constant 65535 : i32
    %and3A_50 = vector.broadcast %and3A_49 : i32 to vector<64x4096xi32>
    %and3A_51 = arith.andi %shift_right_arithmetic3A_48, %and3A_50 : vector<64x4096xi32>
    %or3A_52 = arith.ori %shift_left3A_38, %and3A_51 : vector<64x4096xi32>
    %concatenate3A = tpu.concatenate %or3A, %or3A_52 in 0 : vector<64x4096xi32>, vector<64x4096xi32> -> vector<128x4096xi32>
    %transpose3A = tpu.transpose %concatenate3A, [1, 0] : vector<128x4096xi32> -> vector<4096x128xi32>
    %swap3A = arith.constant 0 : index
    %swap3A_53 = arith.constant 0 : index
    %swap3A_54 = vector.load %arg5[%swap3A, %swap3A_53] : memref<4096x128xi32, #tpu.memory_space<vmem>>, vector<4096x128xi32>
    tpu.vector_store %arg5[%swap3A, %swap3A_53], %transpose3A {strides = array<i32>} : memref<4096x128xi32, #tpu.memory_space<vmem>>, vector<4096x128xi32>,
    return
  }
  func.func @transform_0(%arg0: i32) -> (i32, i32) {
    %c0_i32 = arith.constant 0 : i32
    %c0_i32_0 = arith.constant 0 : i32
    return %c0_i32, %arg0 : i32, i32
  }
  func.func @transform_1(%arg0: i32) -> (i32, i32) {
    %add3A = arith.constant 7 : i32
    %add3A_0 = arith.addi %arg0, %add3A : i32
    %min3A = arith.constant 24 : i32
    %min3A_1 = arith.minsi %add3A_0, %min3A : i32
    %c0_i32 = arith.constant 0 : i32
    %c0_i32_2 = arith.constant 0 : i32
    return %c0_i32, %min3A_1 : i32, i32
  }
  func.func @transform_2(%arg0: i32) -> (i32, i32) {
    %add3A = arith.constant 14 : i32
    %add3A_0 = arith.addi %arg0, %add3A : i32
    %min3A = arith.constant 24 : i32
    %min3A_1 = arith.minsi %add3A_0, %min3A : i32
    %c0_i32 = arith.constant 0 : i32
    %c0_i32_2 = arith.constant 0 : i32
    return %c0_i32, %min3A_1 : i32, i32
  }
  func.func @transform_3(%arg0: i32) -> (i32, i32) {
    %add3A = arith.constant 21 : i32
    %add3A_0 = arith.addi %arg0, %add3A : i32
    %min3A = arith.constant 24 : i32
    %min3A_1 = arith.minsi %add3A_0, %min3A : i32
    %c0_i32 = arith.constant 0 : i32
    %c0_i32_2 = arith.constant 0 : i32
    return %c0_i32, %min3A_1 : i32, i32
  }
  func.func @transform_4(%arg0: i32) -> (i32, i32) {
    %c0_i32 = arith.constant 0 : i32
    %c0_i32_0 = arith.constant 0 : i32
    return %arg0, %c0_i32 : i32, i32
  }
}

module attributes {stable_mosaic.version = 14 : i64} {
  func.func @_mlp_body(%arg0: i32, %arg1: memref<4096x128xi32, #tpu.memory_space<vmem>>, %arg2: memref<4096x128xi32, #tpu.memory_space<vmem>>, %arg3: memref<4096x8xi32, #tpu.memory_space<vmem>>, %arg4: memref<64x128xf32, #tpu.memory_space<vmem>>, %arg5: memref<64x128xf32, #tpu.memory_space<vmem>>, %arg6: memref<128x64xf32, #tpu.memory_space<vmem>>, %arg7: memref<64x32xf32, #tpu.memory_space<vmem>>, %arg8: memref<32x8xf32, #tpu.memory_space<vmem>>, %arg9: memref<1x128xf32, #tpu.memory_space<vmem>>, %arg10: memref<1x64xf32, #tpu.memory_space<vmem>>, %arg11: memref<1x32xf32, #tpu.memory_space<vmem>>, %arg12: memref<1x8xf32, #tpu.memory_space<vmem>>, %arg13: memref<1x128xf32, #tpu.memory_space<vmem>>, %arg14: memref<1x64xf32, #tpu.memory_space<vmem>>, %arg15: memref<1x32xf32, #tpu.memory_space<vmem>>, %arg16: memref<1x128xf32, #tpu.memory_space<vmem>>, %arg17: memref<1x64xf32, #tpu.memory_space<vmem>>, %arg18: memref<1x32xf32, #tpu.memory_space<vmem>>, %arg19: memref<8x4096xf32, #tpu.memory_space<vmem>>) attributes {dimension_semantics = [#tpu.dimension_semantics<arbitrary>], iteration_bounds = array<i64: 4>, scalar_prefetch = 0 : i64, scratch_operands = 0 : i64, tpu.core_type = #tpu.core_type<tc>, window_params = [{transform_indices = @transform_0, window_bounds = array<i64: 4096, 128>}, {transform_indices = @transform_1, window_bounds = array<i64: 4096, 128>}, {transform_indices = @transform_2, window_bounds = array<i64: 4096, 8>}, {pipeline_mode = #tpu.pipeline_mode<synchronous>, transform_indices = @transform_3, window_bounds = array<i64: 64, 128>}, {pipeline_mode = #tpu.pipeline_mode<synchronous>, transform_indices = @transform_4, window_bounds = array<i64: 64, 128>}, {pipeline_mode = #tpu.pipeline_mode<synchronous>, transform_indices = @transform_5, window_bounds = array<i64: 128, 64>}, {pipeline_mode = #tpu.pipeline_mode<synchronous>, transform_indices = @transform_6, window_bounds = array<i64: 64, 32>}, {pipeline_mode = #tpu.pipeline_mode<synchronous>, transform_indices = @transform_7, window_bounds = array<i64: 32, 8>}, {pipeline_mode = #tpu.pipeline_mode<synchronous>, transform_indices = @transform_8, window_bounds = array<i64: 1, 128>}, {pipeline_mode = #tpu.pipeline_mode<synchronous>, transform_indices = @transform_9, window_bounds = array<i64: 1, 64>}, {pipeline_mode = #tpu.pipeline_mode<synchronous>, transform_indices = @transform_10, window_bounds = array<i64: 1, 32>}, {pipeline_mode = #tpu.pipeline_mode<synchronous>, transform_indices = @transform_11, window_bounds = array<i64: 1, 8>}, {pipeline_mode = #tpu.pipeline_mode<synchronous>, transform_indices = @transform_12, window_bounds = array<i64: 1, 128>}, {pipeline_mode = #tpu.pipeline_mode<synchronous>, transform_indices = @transform_13, window_bounds = array<i64: 1, 64>}, {pipeline_mode = #tpu.pipeline_mode<synchronous>, transform_indices = @transform_14, window_bounds = array<i64: 1, 32>}, {pipeline_mode = #tpu.pipeline_mode<synchronous>, transform_indices = @transform_15, window_bounds = array<i64: 1, 128>}, {pipeline_mode = #tpu.pipeline_mode<synchronous>, transform_indices = @transform_16, window_bounds = array<i64: 1, 64>}, {pipeline_mode = #tpu.pipeline_mode<synchronous>, transform_indices = @transform_17, window_bounds = array<i64: 1, 32>}, {transform_indices = @transform_18, window_bounds = array<i64: 8, 4096>}]} {
    %get3A = arith.constant 0 : index
    %get3A_0 = arith.constant 0 : index
    %get3A_1 = vector.load %arg3[%get3A, %get3A_0] : memref<4096x8xi32, #tpu.memory_space<vmem>>, vector<4096x8xi32>
    %slice3A = vector.extract_strided_slice %get3A_1 {offsets = [0, 0], sizes = [4096, 1], strides = [1, 1]} : vector<4096x8xi32> to vector<4096x1xi32>
    %get3A_2 = arith.constant 0 : index
    %get3A_3 = arith.constant 0 : index
    %get3A_4 = vector.load %arg1[%get3A_2, %get3A_3] : memref<4096x128xi32, #tpu.memory_space<vmem>>, vector<4096x128xi32>
    %shift_right_arithmetic3A = arith.constant 0 : i32
    %shift_right_arithmetic3A_5 = vector.broadcast %shift_right_arithmetic3A : i32 to vector<4096x1xi32>
    %shift_right_arithmetic3A_6 = arith.shrsi %slice3A, %shift_right_arithmetic3A_5 : vector<4096x1xi32>
    %and3A = arith.constant 1 : i32
    %and3A_7 = vector.broadcast %and3A : i32 to vector<4096x1xi32>
    %and3A_8 = arith.andi %shift_right_arithmetic3A_6, %and3A_7 : vector<4096x1xi32>
    %shift_right_arithmetic3A_9 = arith.constant 1 : i32
    %shift_right_arithmetic3A_10 = vector.broadcast %shift_right_arithmetic3A_9 : i32 to vector<4096x1xi32>
    %shift_right_arithmetic3A_11 = arith.shrsi %slice3A, %shift_right_arithmetic3A_10 : vector<4096x1xi32>
    %and3A_12 = arith.constant 1 : i32
    %and3A_13 = vector.broadcast %and3A_12 : i32 to vector<4096x1xi32>
    %and3A_14 = arith.andi %shift_right_arithmetic3A_11, %and3A_13 : vector<4096x1xi32>
    %gt3A = arith.constant 0 : i32
    %gt3A_15 = vector.broadcast %gt3A : i32 to vector<4096x1xi32>
    %gt3A_16 = arith.cmpi sgt, %and3A_14, %gt3A_15 : vector<4096x1xi32>
    %slice3A_17 = vector.extract_strided_slice %get3A_4 {offsets = [0, 64], sizes = [4096, 64], strides = [1, 1]} : vector<4096x128xi32> to vector<4096x64xi32>
    %slice3A_18 = vector.extract_strided_slice %get3A_4 {offsets = [0, 0], sizes = [4096, 64], strides = [1, 1]} : vector<4096x128xi32> to vector<4096x64xi32>
    %broadcast_in_dim3A = vector.shape_cast %gt3A_16 : vector<4096x1xi1> to vector<4096x1xi1>
    %broadcast_in_dim3A_19 = vector.broadcast %broadcast_in_dim3A : vector<4096x1xi1> to vector<4096x64xi1>
    %select_n3A = arith.select %broadcast_in_dim3A_19, %slice3A_17, %slice3A_18 : vector<4096x64xi1>, vector<4096x64xi32>
    %gt3A_20 = arith.constant 0 : i32
    %gt3A_21 = vector.broadcast %gt3A_20 : i32 to vector<4096x1xi32>
    %gt3A_22 = arith.cmpi sgt, %and3A_8, %gt3A_21 : vector<4096x1xi32>
    %and3A_23 = arith.constant -65536 : i32
    %and3A_24 = vector.broadcast %and3A_23 : i32 to vector<4096x64xi32>
    %and3A_25 = arith.andi %select_n3A, %and3A_24 : vector<4096x64xi32>
    %shift_left3A = arith.constant 16 : i32
    %shift_left3A_26 = vector.broadcast %shift_left3A : i32 to vector<4096x64xi32>
    %shift_left3A_27 = arith.shli %select_n3A, %shift_left3A_26 : vector<4096x64xi32>
    %broadcast_in_dim3A_28 = vector.shape_cast %gt3A_22 : vector<4096x1xi1> to vector<4096x1xi1>
    %broadcast_in_dim3A_29 = vector.broadcast %broadcast_in_dim3A_28 : vector<4096x1xi1> to vector<4096x64xi1>
    %select_n3A_30 = arith.select %broadcast_in_dim3A_29, %and3A_25, %shift_left3A_27 : vector<4096x64xi1>, vector<4096x64xi32>
    %bitcast_convert_type3A = tpu.bitcast %select_n3A_30 : vector<4096x64xi32> -> vector<4096x64xf32>
    %get3A_31 = arith.constant 0 : index
    %get3A_32 = arith.constant 0 : index
    %get3A_33 = vector.load %arg2[%get3A_31, %get3A_32] : memref<4096x128xi32, #tpu.memory_space<vmem>>, vector<4096x128xi32>
    %shift_right_arithmetic3A_34 = arith.constant 2 : i32
    %shift_right_arithmetic3A_35 = vector.broadcast %shift_right_arithmetic3A_34 : i32 to vector<4096x1xi32>
    %shift_right_arithmetic3A_36 = arith.shrsi %slice3A, %shift_right_arithmetic3A_35 : vector<4096x1xi32>
    %and3A_37 = arith.constant 1 : i32
    %and3A_38 = vector.broadcast %and3A_37 : i32 to vector<4096x1xi32>
    %and3A_39 = arith.andi %shift_right_arithmetic3A_36, %and3A_38 : vector<4096x1xi32>
    %shift_right_arithmetic3A_40 = arith.constant 3 : i32
    %shift_right_arithmetic3A_41 = vector.broadcast %shift_right_arithmetic3A_40 : i32 to vector<4096x1xi32>
    %shift_right_arithmetic3A_42 = arith.shrsi %slice3A, %shift_right_arithmetic3A_41 : vector<4096x1xi32>
    %and3A_43 = arith.constant 1 : i32
    %and3A_44 = vector.broadcast %and3A_43 : i32 to vector<4096x1xi32>
    %and3A_45 = arith.andi %shift_right_arithmetic3A_42, %and3A_44 : vector<4096x1xi32>
    %gt3A_46 = arith.constant 0 : i32
    %gt3A_47 = vector.broadcast %gt3A_46 : i32 to vector<4096x1xi32>
    %gt3A_48 = arith.cmpi sgt, %and3A_45, %gt3A_47 : vector<4096x1xi32>
    %slice3A_49 = vector.extract_strided_slice %get3A_33 {offsets = [0, 64], sizes = [4096, 64], strides = [1, 1]} : vector<4096x128xi32> to vector<4096x64xi32>
    %slice3A_50 = vector.extract_strided_slice %get3A_33 {offsets = [0, 0], sizes = [4096, 64], strides = [1, 1]} : vector<4096x128xi32> to vector<4096x64xi32>
    %broadcast_in_dim3A_51 = vector.shape_cast %gt3A_48 : vector<4096x1xi1> to vector<4096x1xi1>
    %broadcast_in_dim3A_52 = vector.broadcast %broadcast_in_dim3A_51 : vector<4096x1xi1> to vector<4096x64xi1>
    %select_n3A_53 = arith.select %broadcast_in_dim3A_52, %slice3A_49, %slice3A_50 : vector<4096x64xi1>, vector<4096x64xi32>
    %gt3A_54 = arith.constant 0 : i32
    %gt3A_55 = vector.broadcast %gt3A_54 : i32 to vector<4096x1xi32>
    %gt3A_56 = arith.cmpi sgt, %and3A_39, %gt3A_55 : vector<4096x1xi32>
    %and3A_57 = arith.constant -65536 : i32
    %and3A_58 = vector.broadcast %and3A_57 : i32 to vector<4096x64xi32>
    %and3A_59 = arith.andi %select_n3A_53, %and3A_58 : vector<4096x64xi32>
    %shift_left3A_60 = arith.constant 16 : i32
    %shift_left3A_61 = vector.broadcast %shift_left3A_60 : i32 to vector<4096x64xi32>
    %shift_left3A_62 = arith.shli %select_n3A_53, %shift_left3A_61 : vector<4096x64xi32>
    %broadcast_in_dim3A_63 = vector.shape_cast %gt3A_56 : vector<4096x1xi1> to vector<4096x1xi1>
    %broadcast_in_dim3A_64 = vector.broadcast %broadcast_in_dim3A_63 : vector<4096x1xi1> to vector<4096x64xi1>
    %select_n3A_65 = arith.select %broadcast_in_dim3A_64, %and3A_59, %shift_left3A_62 : vector<4096x64xi1>, vector<4096x64xi32>
    %bitcast_convert_type3A_66 = tpu.bitcast %select_n3A_65 : vector<4096x64xi32> -> vector<4096x64xf32>
    %get3A_67 = arith.constant 0 : index
    %get3A_68 = arith.constant 0 : index
    %get3A_69 = vector.load %arg4[%get3A_67, %get3A_68] : memref<64x128xf32, #tpu.memory_space<vmem>>, vector<64x128xf32>
    %dot_general3A = arith.constant dense<0.000000e+00> : vector<4096x128xf32>
    %dot_general3A_70 = tpu.matmul %bitcast_convert_type3A, %get3A_69, %dot_general3A {dimension_numbers = #tpu.dot_dimension_numbers<[1], [0], [0], [1], [0, 0, 1, 1], [], []>, transpose_lhs_hint = false} : vector<4096x64xf32>, vector<64x128xf32>, vector<4096x128xf32> -> vector<4096x128xf32>
    %get3A_71 = arith.constant 0 : index
    %get3A_72 = arith.constant 0 : index
    %get3A_73 = vector.load %arg5[%get3A_71, %get3A_72] : memref<64x128xf32, #tpu.memory_space<vmem>>, vector<64x128xf32>
    %dot_general3A_74 = arith.constant dense<0.000000e+00> : vector<4096x128xf32>
    %dot_general3A_75 = tpu.matmul %bitcast_convert_type3A_66, %get3A_73, %dot_general3A_74 {dimension_numbers = #tpu.dot_dimension_numbers<[1], [0], [0], [1], [0, 0, 1, 1], [], []>, transpose_lhs_hint = false} : vector<4096x64xf32>, vector<64x128xf32>, vector<4096x128xf32> -> vector<4096x128xf32>
    %add3A = arith.addf %dot_general3A_70, %dot_general3A_75 : vector<4096x128xf32>
    %get3A_76 = arith.constant 0 : index
    %get3A_77 = arith.constant 0 : index
    %get3A_78 = vector.load %arg9[%get3A_76, %get3A_77] : memref<1x128xf32, #tpu.memory_space<vmem>>, vector<1x128xf32>
    %add3A_79 = vector.broadcast %get3A_78 : vector<1x128xf32> to vector<4096x128xf32>
    %add3A_80 = arith.addf %add3A, %add3A_79 : vector<4096x128xf32>
    %max3A = arith.constant 0.000000e+00 : f32
    %max3A_81 = vector.broadcast %max3A : f32 to vector<4096x128xf32>
    %max3A_82 = arith.maximumf %add3A_80, %max3A_81 : vector<4096x128xf32>
    %get3A_83 = arith.constant 0 : index
    %get3A_84 = arith.constant 0 : index
    %get3A_85 = vector.load %arg13[%get3A_83, %get3A_84] : memref<1x128xf32, #tpu.memory_space<vmem>>, vector<1x128xf32>
    %mul3A = arith.constant 0.999994993 : f32
    %mul3A_86 = vector.broadcast %mul3A : f32 to vector<1x128xf32>
    %mul3A_87 = arith.mulf %get3A_85, %mul3A_86 : vector<1x128xf32>
    %mul3A_88 = vector.broadcast %mul3A_87 : vector<1x128xf32> to vector<4096x128xf32>
    %mul3A_89 = arith.mulf %max3A_82, %mul3A_88 : vector<4096x128xf32>
    %get3A_90 = arith.constant 0 : index
    %get3A_91 = arith.constant 0 : index
    %get3A_92 = vector.load %arg16[%get3A_90, %get3A_91] : memref<1x128xf32, #tpu.memory_space<vmem>>, vector<1x128xf32>
    %add3A_93 = vector.broadcast %get3A_92 : vector<1x128xf32> to vector<4096x128xf32>
    %add3A_94 = arith.addf %mul3A_89, %add3A_93 : vector<4096x128xf32>
    %get3A_95 = arith.constant 0 : index
    %get3A_96 = arith.constant 0 : index
    %get3A_97 = vector.load %arg6[%get3A_95, %get3A_96] : memref<128x64xf32, #tpu.memory_space<vmem>>, vector<128x64xf32>
    %dot_general3A_98 = arith.constant dense<0.000000e+00> : vector<4096x64xf32>
    %dot_general3A_99 = tpu.matmul %add3A_94, %get3A_97, %dot_general3A_98 {dimension_numbers = #tpu.dot_dimension_numbers<[1], [0], [0], [1], [0, 0, 1, 1], [], []>, transpose_lhs_hint = false} : vector<4096x128xf32>, vector<128x64xf32>, vector<4096x64xf32> -> vector<4096x64xf32>
    %get3A_100 = arith.constant 0 : index
    %get3A_101 = arith.constant 0 : index
    %get3A_102 = vector.load %arg10[%get3A_100, %get3A_101] : memref<1x64xf32, #tpu.memory_space<vmem>>, vector<1x64xf32>
    %add3A_103 = vector.broadcast %get3A_102 : vector<1x64xf32> to vector<4096x64xf32>
    %add3A_104 = arith.addf %dot_general3A_99, %add3A_103 : vector<4096x64xf32>
    %max3A_105 = arith.constant 0.000000e+00 : f32
    %max3A_106 = vector.broadcast %max3A_105 : f32 to vector<4096x64xf32>
    %max3A_107 = arith.maximumf %add3A_104, %max3A_106 : vector<4096x64xf32>
    %get3A_108 = arith.constant 0 : index
    %get3A_109 = arith.constant 0 : index
    %get3A_110 = vector.load %arg14[%get3A_108, %get3A_109] : memref<1x64xf32, #tpu.memory_space<vmem>>, vector<1x64xf32>
    %mul3A_111 = arith.constant 0.999994993 : f32
    %mul3A_112 = vector.broadcast %mul3A_111 : f32 to vector<1x64xf32>
    %mul3A_113 = arith.mulf %get3A_110, %mul3A_112 : vector<1x64xf32>
    %mul3A_114 = vector.broadcast %mul3A_113 : vector<1x64xf32> to vector<4096x64xf32>
    %mul3A_115 = arith.mulf %max3A_107, %mul3A_114 : vector<4096x64xf32>
    %get3A_116 = arith.constant 0 : index
    %get3A_117 = arith.constant 0 : index
    %get3A_118 = vector.load %arg17[%get3A_116, %get3A_117] : memref<1x64xf32, #tpu.memory_space<vmem>>, vector<1x64xf32>
    %add3A_119 = vector.broadcast %get3A_118 : vector<1x64xf32> to vector<4096x64xf32>
    %add3A_120 = arith.addf %mul3A_115, %add3A_119 : vector<4096x64xf32>
    %get3A_121 = arith.constant 0 : index
    %get3A_122 = arith.constant 0 : index
    %get3A_123 = vector.load %arg7[%get3A_121, %get3A_122] : memref<64x32xf32, #tpu.memory_space<vmem>>, vector<64x32xf32>
    %dot_general3A_124 = arith.constant dense<0.000000e+00> : vector<4096x32xf32>
    %dot_general3A_125 = tpu.matmul %add3A_120, %get3A_123, %dot_general3A_124 {dimension_numbers = #tpu.dot_dimension_numbers<[1], [0], [0], [1], [0, 0, 1, 1], [], []>, transpose_lhs_hint = false} : vector<4096x64xf32>, vector<64x32xf32>, vector<4096x32xf32> -> vector<4096x32xf32>
    %get3A_126 = arith.constant 0 : index
    %get3A_127 = arith.constant 0 : index
    %get3A_128 = vector.load %arg11[%get3A_126, %get3A_127] : memref<1x32xf32, #tpu.memory_space<vmem>>, vector<1x32xf32>
    %add3A_129 = vector.broadcast %get3A_128 : vector<1x32xf32> to vector<4096x32xf32>
    %add3A_130 = arith.addf %dot_general3A_125, %add3A_129 : vector<4096x32xf32>
    %max3A_131 = arith.constant 0.000000e+00 : f32
    %max3A_132 = vector.broadcast %max3A_131 : f32 to vector<4096x32xf32>
    %max3A_133 = arith.maximumf %add3A_130, %max3A_132 : vector<4096x32xf32>
    %get3A_134 = arith.constant 0 : index
    %get3A_135 = arith.constant 0 : index
    %get3A_136 = vector.load %arg15[%get3A_134, %get3A_135] : memref<1x32xf32, #tpu.memory_space<vmem>>, vector<1x32xf32>
    %mul3A_137 = arith.constant 0.999994993 : f32
    %mul3A_138 = vector.broadcast %mul3A_137 : f32 to vector<1x32xf32>
    %mul3A_139 = arith.mulf %get3A_136, %mul3A_138 : vector<1x32xf32>
    %mul3A_140 = vector.broadcast %mul3A_139 : vector<1x32xf32> to vector<4096x32xf32>
    %mul3A_141 = arith.mulf %max3A_133, %mul3A_140 : vector<4096x32xf32>
    %get3A_142 = arith.constant 0 : index
    %get3A_143 = arith.constant 0 : index
    %get3A_144 = vector.load %arg18[%get3A_142, %get3A_143] : memref<1x32xf32, #tpu.memory_space<vmem>>, vector<1x32xf32>
    %add3A_145 = vector.broadcast %get3A_144 : vector<1x32xf32> to vector<4096x32xf32>
    %add3A_146 = arith.addf %mul3A_141, %add3A_145 : vector<4096x32xf32>
    %get3A_147 = arith.constant 0 : index
    %get3A_148 = arith.constant 0 : index
    %get3A_149 = vector.load %arg8[%get3A_147, %get3A_148] : memref<32x8xf32, #tpu.memory_space<vmem>>, vector<32x8xf32>
    %dot_general3A_150 = arith.constant dense<0.000000e+00> : vector<4096x8xf32>
    %dot_general3A_151 = tpu.matmul %add3A_146, %get3A_149, %dot_general3A_150 {dimension_numbers = #tpu.dot_dimension_numbers<[1], [0], [0], [1], [0, 0, 1, 1], [], []>, transpose_lhs_hint = false} : vector<4096x32xf32>, vector<32x8xf32>, vector<4096x8xf32> -> vector<4096x8xf32>
    %get3A_152 = arith.constant 0 : index
    %get3A_153 = arith.constant 0 : index
    %get3A_154 = vector.load %arg12[%get3A_152, %get3A_153] : memref<1x8xf32, #tpu.memory_space<vmem>>, vector<1x8xf32>
    %add3A_155 = vector.broadcast %get3A_154 : vector<1x8xf32> to vector<4096x8xf32>
    %add3A_156 = arith.addf %dot_general3A_151, %add3A_155 : vector<4096x8xf32>
    %logistic3A = arith.negf %add3A_156 : vector<4096x8xf32>
    %logistic3A_157 = math.exp %logistic3A : vector<4096x8xf32>
    %logistic3A_158 = arith.constant 1.000000e+00 : f32
    %logistic3A_159 = vector.broadcast %logistic3A_158 : f32 to vector<4096x8xf32>
    %logistic3A_160 = arith.addf %logistic3A_159, %logistic3A_157 : vector<4096x8xf32>
    %logistic3A_161 = arith.divf %logistic3A_159, %logistic3A_160 : vector<4096x8xf32>
    %transpose3A = tpu.transpose %logistic3A_161, [1, 0] : vector<4096x8xf32> -> vector<8x4096xf32>
    %swap3A = arith.constant 0 : index
    %swap3A_162 = arith.constant 0 : index
    %swap3A_163 = vector.load %arg19[%swap3A, %swap3A_162] : memref<8x4096xf32, #tpu.memory_space<vmem>>, vector<8x4096xf32>
    tpu.vector_store %arg19[%swap3A, %swap3A_162], %transpose3A {strides = array<i32>} : memref<8x4096xf32, #tpu.memory_space<vmem>>, vector<8x4096xf32>,
    return
  }
  func.func @transform_0(%arg0: i32) -> (i32, i32) {
    %c0_i32 = arith.constant 0 : i32
    %c0_i32_0 = arith.constant 0 : i32
    return %arg0, %c0_i32 : i32, i32
  }
  func.func @transform_1(%arg0: i32) -> (i32, i32) {
    %c0_i32 = arith.constant 0 : i32
    %c0_i32_0 = arith.constant 0 : i32
    return %arg0, %c0_i32 : i32, i32
  }
  func.func @transform_2(%arg0: i32) -> (i32, i32) {
    %c0_i32 = arith.constant 0 : i32
    %c0_i32_0 = arith.constant 0 : i32
    return %arg0, %c0_i32 : i32, i32
  }
  func.func @transform_3(%arg0: i32) -> (i32, i32) {
    %c0_i32 = arith.constant 0 : i32
    %c0_i32_0 = arith.constant 0 : i32
    %c0_i32_1 = arith.constant 0 : i32
    return %c0_i32, %c0_i32_0 : i32, i32
  }
  func.func @transform_4(%arg0: i32) -> (i32, i32) {
    %c0_i32 = arith.constant 0 : i32
    %c0_i32_0 = arith.constant 0 : i32
    %c0_i32_1 = arith.constant 0 : i32
    return %c0_i32, %c0_i32_0 : i32, i32
  }
  func.func @transform_5(%arg0: i32) -> (i32, i32) {
    %c0_i32 = arith.constant 0 : i32
    %c0_i32_0 = arith.constant 0 : i32
    %c0_i32_1 = arith.constant 0 : i32
    return %c0_i32, %c0_i32_0 : i32, i32
  }
  func.func @transform_6(%arg0: i32) -> (i32, i32) {
    %c0_i32 = arith.constant 0 : i32
    %c0_i32_0 = arith.constant 0 : i32
    %c0_i32_1 = arith.constant 0 : i32
    return %c0_i32, %c0_i32_0 : i32, i32
  }
  func.func @transform_7(%arg0: i32) -> (i32, i32) {
    %c0_i32 = arith.constant 0 : i32
    %c0_i32_0 = arith.constant 0 : i32
    %c0_i32_1 = arith.constant 0 : i32
    return %c0_i32, %c0_i32_0 : i32, i32
  }
  func.func @transform_8(%arg0: i32) -> (i32, i32) {
    %c0_i32 = arith.constant 0 : i32
    %c0_i32_0 = arith.constant 0 : i32
    %c0_i32_1 = arith.constant 0 : i32
    return %c0_i32, %c0_i32_0 : i32, i32
  }
  func.func @transform_9(%arg0: i32) -> (i32, i32) {
    %c0_i32 = arith.constant 0 : i32
    %c0_i32_0 = arith.constant 0 : i32
    %c0_i32_1 = arith.constant 0 : i32
    return %c0_i32, %c0_i32_0 : i32, i32
  }
  func.func @transform_10(%arg0: i32) -> (i32, i32) {
    %c0_i32 = arith.constant 0 : i32
    %c0_i32_0 = arith.constant 0 : i32
    %c0_i32_1 = arith.constant 0 : i32
    return %c0_i32, %c0_i32_0 : i32, i32
  }
  func.func @transform_11(%arg0: i32) -> (i32, i32) {
    %c0_i32 = arith.constant 0 : i32
    %c0_i32_0 = arith.constant 0 : i32
    %c0_i32_1 = arith.constant 0 : i32
    return %c0_i32, %c0_i32_0 : i32, i32
  }
  func.func @transform_12(%arg0: i32) -> (i32, i32) {
    %c0_i32 = arith.constant 0 : i32
    %c0_i32_0 = arith.constant 0 : i32
    %c0_i32_1 = arith.constant 0 : i32
    return %c0_i32, %c0_i32_0 : i32, i32
  }
  func.func @transform_13(%arg0: i32) -> (i32, i32) {
    %c0_i32 = arith.constant 0 : i32
    %c0_i32_0 = arith.constant 0 : i32
    %c0_i32_1 = arith.constant 0 : i32
    return %c0_i32, %c0_i32_0 : i32, i32
  }
  func.func @transform_14(%arg0: i32) -> (i32, i32) {
    %c0_i32 = arith.constant 0 : i32
    %c0_i32_0 = arith.constant 0 : i32
    %c0_i32_1 = arith.constant 0 : i32
    return %c0_i32, %c0_i32_0 : i32, i32
  }
  func.func @transform_15(%arg0: i32) -> (i32, i32) {
    %c0_i32 = arith.constant 0 : i32
    %c0_i32_0 = arith.constant 0 : i32
    %c0_i32_1 = arith.constant 0 : i32
    return %c0_i32, %c0_i32_0 : i32, i32
  }
  func.func @transform_16(%arg0: i32) -> (i32, i32) {
    %c0_i32 = arith.constant 0 : i32
    %c0_i32_0 = arith.constant 0 : i32
    %c0_i32_1 = arith.constant 0 : i32
    return %c0_i32, %c0_i32_0 : i32, i32
  }
  func.func @transform_17(%arg0: i32) -> (i32, i32) {
    %c0_i32 = arith.constant 0 : i32
    %c0_i32_0 = arith.constant 0 : i32
    %c0_i32_1 = arith.constant 0 : i32
    return %c0_i32, %c0_i32_0 : i32, i32
  }
  func.func @transform_18(%arg0: i32) -> (i32, i32) {
    %c0_i32 = arith.constant 0 : i32
    %c0_i32_0 = arith.constant 0 : i32
    return %c0_i32, %arg0 : i32, i32
  }
}

</mosaic_0001>

<sc_bundles>
// kernel: kernel.10.cloned.1.call-start
scs
__scs_entry_jumppad:
0x0: {  	(pc) =	sbr.rel $0x88, $3  }
0x1: {  	(tag) =	ssettag $0x0;
	lr =	simm.s32 $0x1  }
0x2: {  	[smem:$0x3F8F] =	sst lr;
	_ =	strace $0xD0000000  }
0x3: {  	_ = 	snop  }
0x4: {  	_ = 	snop  }
0x5: {  	_ = 	snop  }
0x6: {  	_ = 	snop  }
0x7: {  	_ = 	snop  }
__scs_overlays_trampoline_lowered:
0x8: {  	[smem:$0x3F9E] =	sst s0  }
0x9: {  	[smem:$0x3F9F] =	sst s1  }
0xa: {  	[smem:$0x3FA0] =	sst s2  }
0xb: {  	[smem:$0x3FA1] =	sst s3  }
0xc: {  	[smem:$0x3FA2] =	sst s4  }
0xd: {  	[smem:$0x3FA3] =	sst s5  }
0xe: {  	[smem:$0x3FA4] =	sst s6  }
0xf: {  	[smem:$0x3FA5] =	sst s7  }
0x10: {  	[smem:$0x3FA6] =	sst s8  }
0x11: {  	[smem:$0x3FA7] =	sst s9;
	s0 =	simm.s32 @!p0 $0x0  }
0x12: {  	s1 =	sld [smem:$0x3F8D];
	s0 =	simm.s32 @p0 $0x1  }
0x13: {  	[smem:$0x3FA8] =	sst s0;
	s0 =	simm.s32 @!p1 $0x0  }
0x14: {  	s2 =	sld [smem:$0x3F8C];
	s0 =	simm.s32 @p1 $0x1  }
0x15: {  	[smem:$0x3FA9] =	sst s0;
	s0 =	simm.s32 @!p2 $0x0  }
0x16: {  	s3 =	sld [smem:$0x3FDB];
	s0 =	simm.s32 @p2 $0x1  }
0x17: {  	s4 =	simm.s32 $0x1BF5;
	[smem:$0x3FAB] =	sst s0  }
0x18: {  	s0 =	sld [smem:$0x3F8E];
	_ =	swait.ge [sflag:s4], $0x0  }
0x19: {  	s7 =	sld [smem:$0x3F8F]  }
0x1a: {  	s8 =	sadd.s32 $0xFFFFE003, lr  }
0x1b: {  	s9 =	sadd.s32 $0xFFFFFEF7, lr;
	s5 =	simm.s32 $0xFFFFFFFF;
	p2 =	slt.u32 s8, $0xFFFFF086  }
0x1c: {  	p1 =	slt.u32 s9, $0xF7A;
	s5 =	simm.s32 @!p2 $0x0  }
0x1d: {  	s5 =	simm.s32 @p1 $0x1;
	p0 =	seq.s32 s7, s2  }
0x1e: {  	s7 =	smul.u32 @!p0 $0xF7A, s2;
	p2 =	seq.s32 @!p0 s5, $0x0  }
0x1f: {  	s9 =	smul.u32 $0xF7A, s1;
	s8 =	simm.s32 @!p0 $0x1BF5;
	p2 =	por !p2, p0  }
0x20: {  	[sflag:s8] =	ssyncset.s32 @!p0 $0xFFFFF086;
	s6 =	sadd.s32 @!p0 s3, s7;
	s7 =	simm.s32 @!p0 $0x108  }
0x21: {  	s3 =	sadd.s32 s3, s9;
	s6 =	sadd.s32 @!p0 $0x88, s6;
	s7 =	simm.s32 @p2 $0x1082  }
0x22: {  	[simem:s7], [sflag:s8] =	dma.local @!p0 [hbm:s6], $0xF7A  }
0x23: {  	s9 =	sor.u32 $0xD0000000, s2;
	s6 =	simm.s32 $0x108;
	_ =	swait.ge @!p0 [sflag:s8], $0x0  }
0x24: {  	s3 =	sadd.s32 $0x88, s3;
	s6 =	simm.s32 @!p1 $0x1082;
	[sflag:s4] =	ssyncset.s32 $0xFFFFF086  }
0x25: {  	[simem:s6], [sflag:s4] =	dma.local [hbm:s3], $0xF7A  }
0x26: {  	[smem:$0x3F8F] =	sst s1;
	(tag) =	ssettag s2;
	_ =	strace s9  }
0x27: {  	s1 =	sld [smem:$0x3F9F]  }
0x28: {  	s2 =	sld [smem:$0x3FA0]  }
0x29: {  	s4 =	sld [smem:$0x3FA2]  }
0x2a: {  	p0 =	seq.s32 s5, $0x0;
	s5 =	sld [smem:$0x3FA3]  }
0x2b: {  	s6 =	sld [smem:$0x3FA4]  }
0x2c: {  	s7 =	sld [smem:$0x3FA5]  }
0x2d: {  	s3 =	simm.s32 $0x108;
	s8 =	sld [smem:$0x3FA6]  }
0x2e: {  	s3 =	simm.s32 @!p0 $0x1082;
	s9 =	sld [smem:$0x3FA7]  }
0x2f: {  	lr =	sadd.s32 s0, s3;
	s0 =	sld [smem:$0x3F9E]  }
0x30: {  	s3 =	sld [smem:$0x3FA1]  }
0x31: {  	[smem:$0x3FAA] =	sst s10  }
0x32: {  	s10 =	sld [smem:$0x3FA8];
	_ =	sdelay $0x3  }
0x33: {  	p0 =	seq.s32 s10, $0x1;
	s10 =	sld [smem:$0x3FAA];
	_ =	sdelay $0x3  }
0x34: {  	[smem:$0x3FAA] =	sst s10  }
0x35: {  	s10 =	sld [smem:$0x3FA9];
	_ =	sdelay $0x3  }
0x36: {  	p1 =	seq.s32 s10, $0x1;
	s10 =	sld [smem:$0x3FAA];
	_ =	sdelay $0x3  }
0x37: {  	[smem:$0x3FAA] =	sst s10  }
0x38: {  	s10 =	sld [smem:$0x3FAB]  }
0x39: {  	_ = 	snop;
	(pc) =	sbr.ind lr, $3  }
0x3a: {  	_ = 	snop  }
0x3b: {  	_ = 	snop  }
0x3c: {  	p2 =	seq.s32 s10, $0x1;
	s10 =	sld [smem:$0x3FAA]  }
0x3d: {  	_ =	shalt  }
0x3e: {  	_ =	shalt  }
0x3f: {  	_ =	shalt  }
0x40: {  	_ =	shalt  }
0x41: {  	_ =	shalt  }
0x42: {  	_ =	shalt  }
0x43: {  	_ =	shalt  }
0x44: {  	_ =	shalt  }
0x45: {  	_ =	shalt  }
0x46: {  	_ =	shalt  }
0x47: {  	_ =	shalt  }
0x48: {  	_ =	shalt  }
0x49: {  	_ =	shalt  }
0x4a: {  	_ =	shalt  }
0x4b: {  	_ =	shalt  }
0x4c: {  	_ =	shalt  }
0x4d: {  	_ =	shalt  }
0x4e: {  	_ =	shalt  }
0x4f: {  	_ =	shalt  }
0x50: {  	_ =	shalt  }
0x51: {  	_ =	shalt  }
0x52: {  	_ =	shalt  }
0x53: {  	_ =	shalt  }
0x54: {  	_ =	shalt  }
0x55: {  	_ =	shalt  }
0x56: {  	_ =	shalt  }
0x57: {  	_ =	shalt  }
0x58: {  	_ =	shalt  }
0x59: {  	_ =	shalt  }
0x5a: {  	_ =	shalt  }
0x5b: {  	_ =	shalt  }
0x5c: {  	_ =	shalt  }
0x5d: {  	_ =	shalt  }
0x5e: {  	_ =	shalt  }
0x5f: {  	_ =	shalt  }
0x60: {  	_ =	shalt  }
0x61: {  	_ =	shalt  }
0x62: {  	_ =	shalt  }
0x63: {  	_ =	shalt  }
0x64: {  	_ =	shalt  }
0x65: {  	_ =	shalt  }
0x66: {  	_ =	shalt  }
0x67: {  	_ =	shalt  }
0x68: {  	_ =	shalt  }
0x69: {  	_ =	shalt  }
0x6a: {  	_ =	shalt  }
0x6b: {  	_ =	shalt  }
0x6c: {  	_ =	shalt  }
0x6d: {  	_ =	shalt  }
0x6e: {  	_ =	shalt  }
0x6f: {  	_ =	shalt  }
0x70: {  	_ =	shalt  }
0x71: {  	_ =	shalt  }
0x72: {  	_ =	shalt  }
0x73: {  	_ =	shalt  }
0x74: {  	_ =	shalt  }
0x75: {  	_ =	shalt  }
0x76: {  	_ =	shalt  }
0x77: {  	_ =	shalt  }
0x78: {  	_ =	shalt  }
0x79: {  	_ =	shalt  }
0x7a: {  	_ =	shalt  }
0x7b: {  	_ =	shalt  }
0x7c: {  	_ =	shalt  }
0x7d: {  	_ =	shalt  }
0x7e: {  	_ =	shalt  }
0x7f: {  	_ =	shalt  }
0x80: {  	_ =	shalt  }
0x81: {  	_ =	shalt  }
0x82: {  	_ =	shalt  }
0x83: {  	_ =	shalt  }
0x84: {  	_ =	shalt  }
0x85: {  	_ =	shalt  }
0x86: {  	_ =	shalt  }
0x87: {  	_ =	shalt  }
.Lfunc_end0:
.L_simem_size_0:
called_computation.1_lowered:
.L_overlay_start_0:
0x88: {  	s2 =	sld [smem:$0x3FD9]  }
0x89: {  	s3 =	sld [smem:$0x3FFE];
	_ =	sdelay $0x1  }
0x8a: {  	s1 =	srdreg.scid  }
0x8b: {  	s0 =	sand.u32 $0x1, s1  }
0x8c: {  	s17 =	sshll.u32 s0, $0xA;
	s2 =	sadd.s32 s3, s2  }
0x8d: {  	s2 =	sadd.s32 s2, s17  }
0x8e: {  	[smem:$0x3FB6] =	sst s2  }
0x8f: {  	_ = 	snop  }
0x90: {  	(tm) =	ssettm $0x1  }
0x91: {  	s18 =	sld [smem:$0x3FFB];
	_ =	sdelay $0x3  }
0x92: {  	_ =	strace s18  }
0x93: {  	s2 =	sld [smem:$0x3FFC];
	_ =	sdelay $0x3  }
0x94: {  	_ =	strace s2  }
0x95: {  	s2 =	sld [smem:$0x3FFD];
	_ =	sdelay $0x3  }
0x96: {  	_ =	strace s2  }
0x97: {  	_ =	strace $0x8FFFFFFF  }
0x98: {  	s19 =	sld [smem:$0x3FDB];
	_ =	sdelay $0x1  }
0x99: {  	s20 =	simm.s32 $_scs_section_size  }
0x9a: {  	s4 =	simm.s32 $_size__tile_overlayer_lowered;
	s5 =	simm.s32 $_tile_overlayer_lowered  }
0x9b: {  	s6 =	simm.s32 $0x1BFF;
	s21 =	sshll.u32 s5, $0x1;
	s3 =	sadd.s32 s20, s19  }
0x9c: {  	s22 =	simm.s32 $0x0;
	s4 =	sshll.u32 s4, $0x1;
	s5 =	sadd.s32 s21, s3  }
0x9d: {  	[timem:s22], [sflag:s6] =	dma.local [hbm:s5], s4  }
0x9e: {  	_ =	swait.ge [sflag:s6], s4  }
0x9f: {  	s4 =	ssub.s32 $0x0, s4;
	[sflag:s6] =	ssyncset.done $0x0  }
0xa0: {  	[sflag:s6] =	ssyncadd.s32 s4;
	_ =	sdelay $0x1  }
0xa1: {  	s23 =	simm.s32 $0x1B8B  }
0xa2: {  	_ =	swait.ge [sflag:s23], $0x1  }
0xa3: {  	[sflag:s23] =	ssyncset.done $0x0  }
0xa4: {  	[sflag:s23] =	ssyncadd.s32 $0xFFFFFFFF  }
0xa5: {  	s4 =	sld [smem:$0x0]  }
0xa6: {  	s5 =	sand.u32 $0xFFFFFFFE, s1  }
0xa7: {  	p0 =	sne.s32 s1, s5  }
0xa8: {  	s5 =	sshll.u32 @p0 s5, $0xE  }
0xa9: {  	s5 =	sadd.s32 @p0 $0x11B8D, s5;
	s6 =	sshll.u32 @p0 s4, $0x11  }
0xaa: {  	s5 =	sor.u32 @p0 s6, s5  }
0xab: {  	[sflag:s5] =	ssyncadd.remote.s32 @p0 $0x1;
	_ =	sdelay $0x1  }
0xac: {  	s5 =	simm.s32 @p0 $0x1B8D  }
0xad: {  	_ =	swait.eq @p0 [sflag:s5], $0x1  }
0xae: {  	[sflag:s5] =	ssyncadd.s32 @p0 $0xFFFFFFFF  }
0xaf: {  	s6 =	sshll.u32 @!p0 s1, $0xE  }
0xb0: {  	s6 =	sor.u32 @!p0 $0x4000, s6;
	s5 =	simm.s32 @!p0 $0x1B8D  }
0xb1: {  	s4 =	sshll.u32 @!p0 s4, $0x11;
	s6 =	sadd.s32 @!p0 $0x11B8D, s6;
	_ =	swait.eq @!p0 [sflag:s5], $0x1  }
0xb2: {  	s4 =	sor.u32 @!p0 s4, s6;
	[sflag:s5] =	ssyncadd.s32 @!p0 $0xFFFFFFFF  }
0xb3: {  	s25 =	simm.s32 $0x1B8E;
	s24 =	sld [smem:$0x3FFE];
	[sflag:s4] =	ssyncadd.remote.s32 @!p0 $0x1  }
0xb4: {  	s26 =	simm.s32 $execute0_lowered;
	[smem:$0x3FD2] =	sst s25  }
0xb5: {  	s5 =	sshll.u32 s26, $0x1;
	_ =	strace $0x80000049;
	[dreg:$0x1] =	wrdreg $0xFFFFFFFF  }
0xb6: {  	s28 =	simm.s32 $_size_execute0_lowered;
	s3 =	sadd.s32 s3, s5;
	[dreg:$0x0] =	wrdreg $0x0  }
0xb7: {  	s5 =	sshll.u32 s28, $0x1;
	[dreg:$0x2] =	wrdreg s3  }
0xb8: {  	[dreg:$0x3] =	wrdreg s5  }
0xb9: {  	[dreg:$0x4] =	wrdreg $0xC0  }
0xba: {  	_ =	task [dreg:s22], $0x5FFFF  }
0xbb: {  	[dreg:$0x1] =	wrdreg $0xFFFFFFFF  }
0xbc: {  	[dreg:$0x0] =	wrdreg $0x60  }
0xbd: {  	[dreg:$0x2] =	wrdreg s24  }
0xbe: {  	[dreg:$0x3] =	wrdreg $0xA  }
0xbf: {  	_ =	task.clear_ibuf [dreg:s22], $0x4FFFF;
	_ =	strace $0x90000049  }
0xc0: {  	s29 =	simm.s32 $0xA;
	_ =	strace $0x8000004B  }
0xc1: {  	_ =	swait.ge [sflag:s29], $0x1  }
0xc2: {  	[sflag:s29] =	ssyncadd.s32 $0xFFFFFFFF  }
0xc3: {  	_ =	strace $0x9000004B  }
0xc4: {  	_ =	sfence  }
0xc5: {  	s30 =	sld [smem:$0x0];
	_ =	sdelay $0x2  }
0xc6: {  	s31 =	sshll.u32 s1, $0xD;
	s1 =	sshrl.u32 s1, $0x2  }
0xc7: {  	s4 =	sand.u32 $0x4000, s31;
	s1 =	sadd.s32 s1, s30  }
0xc8: {  	s0 =	sor.u32 s4, s0;
	s1 =	sshll.u32 s1, $0x11  }
0xc9: {  	s0 =	sor.u32 s1, s0  }
0xca: {  	s0 =	sadd.s32 $0x8F2B, s0  }
0xcb: {  	[sflag:s0] =	ssyncadd.remote.s32 $0x1  }
0xcc: {  	_ =	sfence.sel $0xFFFF  }
0xcd: {  	[dreg:$0x0] =	wrdreg $0xFFFFFFFF;
	(pc) =	sbr.abs _section_cstart, $3  }
0xce: {  	[dreg:$0x1] =	wrdreg $0xFFFFFFFF  }
0xcf: {  	_ =	task.clear_ibuf [dreg:s22], $0x2FFFF;
	_ =	strace $0x9FFFFFFF  }
0xd0: {  	(tm) =	ssettm $0x7FFFFFFF  }
0xd1: {  	_ =	shalt  }
tec
execute0_lowered:
.L_overlay_start_1:
0x0: {  	(tag) =	ssettag $0x1  }
0x1: {  	s1 =	srdreg.scid  }
0x2: {  	s0 =	stileid.u32;
	s14 =	sand.u32 $0x1, s1  }
0x3: {  	s29 =	sshll.u32 s0, $0xA;
	s2 =	sshll.u32 s14, $0x9  }
0x4: {  	s15 =	rddreg [dreg:$0x0];
	s16 =	sor.u32 s2, s29  }
0x5: {  	s1 =	rddreg [dreg:$0x1];
	s2 =	simm.s32 $0x0;
	s3 =	sshrl.u32 s16, $0x3  }
0x6: {  	[smem:$0x7FF] =	sst s2;
	s3 =	sadd.s32 s3, s15  }
0x7: {  	_ =	strace $0x8000004A;
	s4 =	sadd.s32 $0x3E3A00, s3;
	s3 =	simm.s32 $0x2  }
0x8: {  	[tilespmem:s2], [sflag:$0x2] =	stream.linear.gather [hbm4b:s4+s2], $0x200, $0x38;
	[tilespmem:$0x10200] =	vst v63  }
0x9: {  	_ =	swait.ge [sflag:s3], $0x200  }
0xa: {  	s6 =	simm.s32 $0x80;
	[sflag:s3] =	ssyncset.done $0x0  }
0xb: {  	s7 =	simm.s32 $0x200;
	s5 =	sadd.s32 $0x424200, s15;
	[sflag:s3] =	ssyncadd.s32 $0xFFFFFE00  }
0xc: {  	[tilespmem:s7], [sflag:$0x1] =	stream.indirect.gather [hbm4b:s5+s6], $0x80, s2, s6, $0xb8;
	[tilespmem:$0x10200] =	vst v63  }
0xd: {  	s8 =	simm.s32 $0x4200  }
0xe: {  	[tilespmem:s8], [sflag:$0x1] =	stream.indirect.gather [hbm4b:s5+s6], $0x80, s6, s6, $0xb8;
	[tilespmem:$0x10200] =	vst v63  }
0xf: {  	s9 =	simm.s32 $0x100;
	s10 =	simm.s32 $0x8200  }
0x10: {  	[tilespmem:s10], [sflag:$0x1] =	stream.indirect.gather [hbm4b:s5+s6], $0x80, s9, s6, $0xb8;
	[tilespmem:$0x10200] =	vst v63  }
0x11: {  	s11 =	simm.s32 $0x180;
	s12 =	simm.s32 $0xC200;
	s13 =	simm.s32 $0x1  }
0x12: {  	[tilespmem:s12], [sflag:$0x1] =	stream.indirect.gather [hbm4b:s5+s6], $0x80, s11, s6, $0xb8;
	[tilespmem:$0x10200] =	vst v63  }
0x13: {  	_ =	swait.ge [sflag:s13], $0x4000  }
0x14: {  	[sflag:s13] =	ssyncset.done $0x0  }
0x15: {  	[sflag:s13] =	ssyncadd.s32 $0xFFFFC000  }
0x16: {  	_ =	swait.ge [sflag:s13], $0x4000  }
0x17: {  	[sflag:s13] =	ssyncset.done $0x0  }
0x18: {  	s14 =	ssub.s32 $0x2, s14;
	[sflag:s13] =	ssyncadd.s32 $0xFFFFC000  }
0x19: {  	s17 =	sshrl.u32 s14, $0x1;
	_ =	swait.ge [sflag:s13], $0x4000  }
0x1a: {  	s30 =	ssub.s32 s14, s17;
	[sflag:s13] =	ssyncset.done $0x0  }
0x1b: {  	s31 =	smax.u32 s30, $0x1;
	[sflag:s13] =	ssyncadd.s32 $0xFFFFC000  }
0x1c: {  	s16 =	sshll.u32 s16, $0x4;
	p0 =	sne.s32 s31, $0x1;
	_ =	swait.ge [sflag:s13], $0x4000  }
.Ltmp0:
0x1d: {  	s15 =	sadd.s32 s16, s15;
	[sflag:s13] =	ssyncset.done $0x0;
	(pc) =	sbr.rel @!p0 .LBB2_2-.Ltmp0, $4  }
0x1e: {  	s14 =	sadd.s32 $0x494200, s15;
	[sflag:s13] =	ssyncadd.s32 $0xFFFFC000  }
0x1f: {  	[hbm4b:s14+s2] =	stream.linear.scatter [tilespmem:s7], [sflag:$0x2], $0x10000, $0x38;
	[tilespmem:$0x10200] =	vst v63  }
0x20: {  	_ =	swait.ge [sflag:s3], $0x10000  }
0x21: {  	s15 =	sadd.s32 $0xFFFFFFFF, s31;
	[sflag:s3] =	ssyncset.done $0x0  }
.LBB2_1:
0x22: {  	p0 =	sne.s32 s15, $0x1;
	s15 =	sadd.s32 $0xFFFFFFFF, s15;
	[sflag:s3] =	ssyncadd.s32 $0xFFFF0000  }
0x23: {  	[tilespmem:s2], [sflag:$0x2] =	stream.linear.gather [hbm4b:s4+s2], $0x200, $0x38;
	[tilespmem:$0x10200] =	vst v63  }
0x24: {  	_ =	swait.ge [sflag:s3], $0x200  }
0x25: {  	[sflag:s3] =	ssyncset.done $0x0  }
0x26: {  	[sflag:s3] =	ssyncadd.s32 $0xFFFFFE00  }
0x27: {  	[tilespmem:s7], [sflag:$0x1] =	stream.indirect.gather [hbm4b:s5+s6], $0x80, s2, s6, $0xb8;
	[tilespmem:$0x10200] =	vst v63  }
0x28: {  	_ = 	snop  }
0x29: {  	[tilespmem:s8], [sflag:$0x1] =	stream.indirect.gather [hbm4b:s5+s6], $0x80, s6, s6, $0xb8;
	[tilespmem:$0x10200] =	vst v63  }
0x2a: {  	_ = 	snop  }
0x2b: {  	[tilespmem:s10], [sflag:$0x1] =	stream.indirect.gather [hbm4b:s5+s6], $0x80, s9, s6, $0xb8;
	[tilespmem:$0x10200] =	vst v63  }
0x2c: {  	_ = 	snop  }
0x2d: {  	[tilespmem:s12], [sflag:$0x1] =	stream.indirect.gather [hbm4b:s5+s6], $0x80, s11, s6, $0xb8;
	[tilespmem:$0x10200] =	vst v63  }
0x2e: {  	_ =	swait.ge [sflag:s13], $0x4000  }
0x2f: {  	[sflag:s13] =	ssyncset.done $0x0  }
0x30: {  	[sflag:s13] =	ssyncadd.s32 $0xFFFFC000  }
0x31: {  	_ =	swait.ge [sflag:s13], $0x4000  }
0x32: {  	[sflag:s13] =	ssyncset.done $0x0  }
0x33: {  	[sflag:s13] =	ssyncadd.s32 $0xFFFFC000  }
0x34: {  	_ =	swait.ge [sflag:s13], $0x4000  }
0x35: {  	[sflag:s13] =	ssyncset.done $0x0  }
0x36: {  	[sflag:s13] =	ssyncadd.s32 $0xFFFFC000  }
0x37: {  	_ =	swait.ge [sflag:s13], $0x4000  }
.Ltmp1:
0x38: {  	[sflag:s13] =	ssyncset.done $0x0;
	(pc) =	sbr.rel @p0 .LBB2_1-.Ltmp1, $4  }
0x39: {  	[sflag:s13] =	ssyncadd.s32 $0xFFFFC000  }
0x3a: {  	[hbm4b:s14+s2] =	stream.linear.scatter [tilespmem:s7], [sflag:$0x2], $0x10000, $0x38;
	[tilespmem:$0x10200] =	vst v63  }
0x3b: {  	_ =	swait.ge [sflag:s3], $0x10000  }
0x3c: {  	[sflag:s3] =	ssyncset.done $0x0  }
.LBB2_2:
0x3d: {  	[sflag:s3] =	ssyncadd.s32 $0xFFFF0000  }
0x3e: {  	_ =	sfence.sel $0x180000  }
0x3f: {  	[bflag:$0x0] =	sbarrier.arrive $0xFFFF  }
0x40: {  	p0 =	sne.s32 s0, $0x0;
	_ =	strace $0x9000004A  }
0x41: {  	s0 =	sadd.s32 @!p0 $0x100000, s1;
	[bflag:$0x2] =	sbarrier.arrive $0xFFFF  }
0x42: {  	[sflag:s0] =	ssyncadd.tile.s32 @!p0 $0x1;
	_ =	shalt  }
.Lfunc_end2:
_tile_overlayer_lowered:
.L_overlay_start_2:
0x43: {  	(tag) =	ssettag $0x2  }
0x44: {  	s0 =	rddreg [dreg:$0x0];
	s2 =	stileid.u32  }
0x45: {  	s1 =	rddreg [dreg:$0x1];
	p0 =	sne.s32 s2, $0x0  }
0x46: {  	s3 =	rddreg [dreg:$0x2];
	[bflag:$0x3] =	sbarrier.arrive $0xFFFF;
	s2 =	simm.s32 @!p0 $0x1C02  }
0x47: {  	[timem:s3], [sflag:s2] =	dma.local @!p0 [hbm:s0], s1  }
0x48: {  	s0 =	simm.s32 @!p0 $0x2  }
0x49: {  	_ =	swait.ge @!p0 [sflag:s0], s1  }
0x4a: {  	s1 =	ssub.s32 @!p0 $0x0, s1;
	[sflag:s0] =	ssyncset.done @!p0 $0x0  }
0x4b: {  	[sflag:s0] =	ssyncadd.s32 @!p0 s1  }
0x4c: {  	[bflag:$0x3] =	sbarrier.arrive $0xFFFF  }
0x4d: {  	_ =	shalt  }

// kernel: kernel.7.cloned.1.call-start
scs
__scs_entry_jumppad:
0x0: {  	(pc) =	sbr.rel $0x88, $3  }
0x1: {  	(tag) =	ssettag $0x0;
	lr =	simm.s32 $0x1  }
0x2: {  	[smem:$0x3F8F] =	sst lr;
	_ =	strace $0xD0000000  }
0x3: {  	_ = 	snop  }
0x4: {  	_ = 	snop  }
0x5: {  	_ = 	snop  }
0x6: {  	_ = 	snop  }
0x7: {  	_ = 	snop  }
__scs_overlays_trampoline_lowered:
0x8: {  	[smem:$0x3F9E] =	sst s0  }
0x9: {  	[smem:$0x3F9F] =	sst s1  }
0xa: {  	[smem:$0x3FA0] =	sst s2  }
0xb: {  	[smem:$0x3FA1] =	sst s3  }
0xc: {  	[smem:$0x3FA2] =	sst s4  }
0xd: {  	[smem:$0x3FA3] =	sst s5  }
0xe: {  	[smem:$0x3FA4] =	sst s6  }
0xf: {  	[smem:$0x3FA5] =	sst s7  }
0x10: {  	[smem:$0x3FA6] =	sst s8  }
0x11: {  	[smem:$0x3FA7] =	sst s9;
	s0 =	simm.s32 @!p0 $0x0  }
0x12: {  	s1 =	sld [smem:$0x3F8D];
	s0 =	simm.s32 @p0 $0x1  }
0x13: {  	[smem:$0x3FA8] =	sst s0;
	s0 =	simm.s32 @!p1 $0x0  }
0x14: {  	s2 =	sld [smem:$0x3F8C];
	s0 =	simm.s32 @p1 $0x1  }
0x15: {  	[smem:$0x3FA9] =	sst s0;
	s0 =	simm.s32 @!p2 $0x0  }
0x16: {  	s3 =	sld [smem:$0x3FDB];
	s0 =	simm.s32 @p2 $0x1  }
0x17: {  	s4 =	simm.s32 $0x1BF5;
	[smem:$0x3FAB] =	sst s0  }
0x18: {  	s0 =	sld [smem:$0x3F8E];
	_ =	swait.ge [sflag:s4], $0x0  }
0x19: {  	s7 =	sld [smem:$0x3F8F]  }
0x1a: {  	s8 =	sadd.s32 $0xFFFFE003, lr  }
0x1b: {  	s9 =	sadd.s32 $0xFFFFFEF7, lr;
	s5 =	simm.s32 $0xFFFFFFFF;
	p2 =	slt.u32 s8, $0xFFFFF086  }
0x1c: {  	p1 =	slt.u32 s9, $0xF7A;
	s5 =	simm.s32 @!p2 $0x0  }
0x1d: {  	s5 =	simm.s32 @p1 $0x1;
	p0 =	seq.s32 s7, s2  }
0x1e: {  	s7 =	smul.u32 @!p0 $0xF7A, s2;
	p2 =	seq.s32 @!p0 s5, $0x0  }
0x1f: {  	s9 =	smul.u32 $0xF7A, s1;
	s8 =	simm.s32 @!p0 $0x1BF5;
	p2 =	por !p2, p0  }
0x20: {  	[sflag:s8] =	ssyncset.s32 @!p0 $0xFFFFF086;
	s6 =	sadd.s32 @!p0 s3, s7;
	s7 =	simm.s32 @!p0 $0x108  }
0x21: {  	s3 =	sadd.s32 s3, s9;
	s6 =	sadd.s32 @!p0 $0x88, s6;
	s7 =	simm.s32 @p2 $0x1082  }
0x22: {  	[simem:s7], [sflag:s8] =	dma.local @!p0 [hbm:s6], $0xF7A  }
0x23: {  	s9 =	sor.u32 $0xD0000000, s2;
	s6 =	simm.s32 $0x108;
	_ =	swait.ge @!p0 [sflag:s8], $0x0  }
0x24: {  	s3 =	sadd.s32 $0x88, s3;
	s6 =	simm.s32 @!p1 $0x1082;
	[sflag:s4] =	ssyncset.s32 $0xFFFFF086  }
0x25: {  	[simem:s6], [sflag:s4] =	dma.local [hbm:s3], $0xF7A  }
0x26: {  	[smem:$0x3F8F] =	sst s1;
	(tag) =	ssettag s2;
	_ =	strace s9  }
0x27: {  	s1 =	sld [smem:$0x3F9F]  }
0x28: {  	s2 =	sld [smem:$0x3FA0]  }
0x29: {  	s4 =	sld [smem:$0x3FA2]  }
0x2a: {  	p0 =	seq.s32 s5, $0x0;
	s5 =	sld [smem:$0x3FA3]  }
0x2b: {  	s6 =	sld [smem:$0x3FA4]  }
0x2c: {  	s7 =	sld [smem:$0x3FA5]  }
0x2d: {  	s3 =	simm.s32 $0x108;
	s8 =	sld [smem:$0x3FA6]  }
0x2e: {  	s3 =	simm.s32 @!p0 $0x1082;
	s9 =	sld [smem:$0x3FA7]  }
0x2f: {  	lr =	sadd.s32 s0, s3;
	s0 =	sld [smem:$0x3F9E]  }
0x30: {  	s3 =	sld [smem:$0x3FA1]  }
0x31: {  	[smem:$0x3FAA] =	sst s10  }
0x32: {  	s10 =	sld [smem:$0x3FA8];
	_ =	sdelay $0x3  }
0x33: {  	p0 =	seq.s32 s10, $0x1;
	s10 =	sld [smem:$0x3FAA];
	_ =	sdelay $0x3  }
0x34: {  	[smem:$0x3FAA] =	sst s10  }
0x35: {  	s10 =	sld [smem:$0x3FA9];
	_ =	sdelay $0x3  }
0x36: {  	p1 =	seq.s32 s10, $0x1;
	s10 =	sld [smem:$0x3FAA];
	_ =	sdelay $0x3  }
0x37: {  	[smem:$0x3FAA] =	sst s10  }
0x38: {  	s10 =	sld [smem:$0x3FAB]  }
0x39: {  	_ = 	snop;
	(pc) =	sbr.ind lr, $3  }
0x3a: {  	_ = 	snop  }
0x3b: {  	_ = 	snop  }
0x3c: {  	p2 =	seq.s32 s10, $0x1;
	s10 =	sld [smem:$0x3FAA]  }
0x3d: {  	_ =	shalt  }
0x3e: {  	_ =	shalt  }
0x3f: {  	_ =	shalt  }
0x40: {  	_ =	shalt  }
0x41: {  	_ =	shalt  }
0x42: {  	_ =	shalt  }
0x43: {  	_ =	shalt  }
0x44: {  	_ =	shalt  }
0x45: {  	_ =	shalt  }
0x46: {  	_ =	shalt  }
0x47: {  	_ =	shalt  }
0x48: {  	_ =	shalt  }
0x49: {  	_ =	shalt  }
0x4a: {  	_ =	shalt  }
0x4b: {  	_ =	shalt  }
0x4c: {  	_ =	shalt  }
0x4d: {  	_ =	shalt  }
0x4e: {  	_ =	shalt  }
0x4f: {  	_ =	shalt  }
0x50: {  	_ =	shalt  }
0x51: {  	_ =	shalt  }
0x52: {  	_ =	shalt  }
0x53: {  	_ =	shalt  }
0x54: {  	_ =	shalt  }
0x55: {  	_ =	shalt  }
0x56: {  	_ =	shalt  }
0x57: {  	_ =	shalt  }
0x58: {  	_ =	shalt  }
0x59: {  	_ =	shalt  }
0x5a: {  	_ =	shalt  }
0x5b: {  	_ =	shalt  }
0x5c: {  	_ =	shalt  }
0x5d: {  	_ =	shalt  }
0x5e: {  	_ =	shalt  }
0x5f: {  	_ =	shalt  }
0x60: {  	_ =	shalt  }
0x61: {  	_ =	shalt  }
0x62: {  	_ =	shalt  }
0x63: {  	_ =	shalt  }
0x64: {  	_ =	shalt  }
0x65: {  	_ =	shalt  }
0x66: {  	_ =	shalt  }
0x67: {  	_ =	shalt  }
0x68: {  	_ =	shalt  }
0x69: {  	_ =	shalt  }
0x6a: {  	_ =	shalt  }
0x6b: {  	_ =	shalt  }
0x6c: {  	_ =	shalt  }
0x6d: {  	_ =	shalt  }
0x6e: {  	_ =	shalt  }
0x6f: {  	_ =	shalt  }
0x70: {  	_ =	shalt  }
0x71: {  	_ =	shalt  }
0x72: {  	_ =	shalt  }
0x73: {  	_ =	shalt  }
0x74: {  	_ =	shalt  }
0x75: {  	_ =	shalt  }
0x76: {  	_ =	shalt  }
0x77: {  	_ =	shalt  }
0x78: {  	_ =	shalt  }
0x79: {  	_ =	shalt  }
0x7a: {  	_ =	shalt  }
0x7b: {  	_ =	shalt  }
0x7c: {  	_ =	shalt  }
0x7d: {  	_ =	shalt  }
0x7e: {  	_ =	shalt  }
0x7f: {  	_ =	shalt  }
0x80: {  	_ =	shalt  }
0x81: {  	_ =	shalt  }
0x82: {  	_ =	shalt  }
0x83: {  	_ =	shalt  }
0x84: {  	_ =	shalt  }
0x85: {  	_ =	shalt  }
0x86: {  	_ =	shalt  }
0x87: {  	_ =	shalt  }
.Lfunc_end0:
.L_simem_size_0:
called_computation_lowered:
.L_overlay_start_0:
0x88: {  	s2 =	sld [smem:$0x3FD9]  }
0x89: {  	s3 =	sld [smem:$0x3FFE];
	_ =	sdelay $0x1  }
0x8a: {  	s1 =	srdreg.scid  }
0x8b: {  	s0 =	sand.u32 $0x1, s1  }
0x8c: {  	s16 =	sshll.u32 s0, $0xA;
	s2 =	sadd.s32 s3, s2  }
0x8d: {  	s2 =	sadd.s32 s2, s16  }
0x8e: {  	[smem:$0x3FB6] =	sst s2  }
0x8f: {  	_ = 	snop  }
0x90: {  	(tm) =	ssettm $0x1  }
0x91: {  	s17 =	sld [smem:$0x3FFB];
	_ =	sdelay $0x3  }
0x92: {  	_ =	strace s17  }
0x93: {  	s2 =	sld [smem:$0x3FFC];
	_ =	sdelay $0x3  }
0x94: {  	_ =	strace s2  }
0x95: {  	s2 =	sld [smem:$0x3FFD];
	_ =	sdelay $0x3  }
0x96: {  	_ =	strace s2  }
0x97: {  	_ =	strace $0x8FFFFFFF  }
0x98: {  	s18 =	sld [smem:$0x3FDB];
	_ =	sdelay $0x1  }
0x99: {  	s19 =	simm.s32 $_scs_section_size  }
0x9a: {  	s4 =	simm.s32 $_size__tile_overlayer_lowered;
	s5 =	simm.s32 $_tile_overlayer_lowered  }
0x9b: {  	s22 =	simm.s32 $0x1BFF;
	s21 =	sshll.u32 s5, $0x1;
	s2 =	sadd.s32 s19, s18  }
0x9c: {  	s6 =	simm.s32 $0x0;
	s20 =	sshll.u32 s4, $0x1;
	s4 =	sadd.s32 s21, s2  }
0x9d: {  	[timem:s6], [sflag:s22] =	dma.local [hbm:s4], s20  }
0x9e: {  	_ =	swait.ge [sflag:s22], s20  }
0x9f: {  	s3 =	ssub.s32 $0x0, s20;
	[sflag:s22] =	ssyncset.done $0x0  }
0xa0: {  	[sflag:s22] =	ssyncadd.s32 s3;
	_ =	sdelay $0x1  }
0xa1: {  	s23 =	simm.s32 $0x1B8B  }
0xa2: {  	_ =	swait.ge [sflag:s23], $0x1  }
0xa3: {  	[sflag:s23] =	ssyncset.done $0x0  }
0xa4: {  	s25 =	simm.s32 $0x1B8E;
	s24 =	sld [smem:$0x3FFE];
	[sflag:s23] =	ssyncadd.s32 $0xFFFFFFFF  }
0xa5: {  	s26 =	simm.s32 $execute0_lowered;
	[smem:$0x3FD2] =	sst s25  }
0xa6: {  	s4 =	sshll.u32 s26, $0x1;
	_ =	strace $0x80000046;
	[dreg:$0x1] =	wrdreg $0xFFFFFFFF  }
0xa7: {  	s28 =	simm.s32 $_size_execute0_lowered;
	s2 =	sadd.s32 s2, s4;
	[dreg:$0x0] =	wrdreg $0x0  }
0xa8: {  	s4 =	sshll.u32 s28, $0x1;
	[dreg:$0x2] =	wrdreg s2  }
0xa9: {  	[dreg:$0x3] =	wrdreg s4  }
0xaa: {  	[dreg:$0x4] =	wrdreg $0xC0  }
0xab: {  	_ =	task [dreg:s6], $0x5FFFF  }
0xac: {  	[dreg:$0x1] =	wrdreg $0xFFFFFFFF  }
0xad: {  	[dreg:$0x0] =	wrdreg $0x60  }
0xae: {  	[dreg:$0x2] =	wrdreg s24  }
0xaf: {  	[dreg:$0x3] =	wrdreg $0x9  }
0xb0: {  	_ =	task.clear_ibuf [dreg:s6], $0x4FFFF;
	_ =	strace $0x90000046  }
0xb1: {  	s29 =	simm.s32 $0x9;
	_ =	strace $0x80000048  }
0xb2: {  	_ =	swait.ge [sflag:s29], $0x1  }
0xb3: {  	[sflag:s29] =	ssyncadd.s32 $0xFFFFFFFF  }
0xb4: {  	_ =	strace $0x90000048  }
0xb5: {  	_ =	sfence  }
0xb6: {  	s30 =	sld [smem:$0x0];
	_ =	sdelay $0x2  }
0xb7: {  	s31 =	sshll.u32 s1, $0xD;
	s1 =	sshrl.u32 s1, $0x2  }
0xb8: {  	s3 =	sand.u32 $0x4000, s31;
	s1 =	sadd.s32 s1, s30  }
0xb9: {  	s0 =	sor.u32 s3, s0;
	s1 =	sshll.u32 s1, $0x11  }
0xba: {  	s0 =	sor.u32 s1, s0  }
0xbb: {  	s0 =	sadd.s32 $0x8F2B, s0  }
0xbc: {  	[sflag:s0] =	ssyncadd.remote.s32 $0x1  }
0xbd: {  	_ =	sfence.sel $0xFFFF  }
0xbe: {  	[dreg:$0x0] =	wrdreg $0xFFFFFFFF;
	(pc) =	sbr.abs _section_cstart, $3  }
0xbf: {  	[dreg:$0x1] =	wrdreg $0xFFFFFFFF  }
0xc0: {  	_ =	task.clear_ibuf [dreg:s6], $0x2FFFF;
	_ =	strace $0x9FFFFFFF  }
0xc1: {  	(tm) =	ssettm $0x7FFFFFFF  }
tec
execute0_lowered:
.L_overlay_start_1:
0x0: {  	(tag) =	ssettag $0x1  }
0x1: {  	s1 =	srdreg.scid  }
0x2: {  	s0 =	stileid.u32;
	s14 =	sand.u32 $0x1, s1  }
0x3: {  	s29 =	sshll.u32 s0, $0xA;
	s2 =	sshll.u32 s14, $0x9  }
0x4: {  	s15 =	rddreg [dreg:$0x0];
	s16 =	sor.u32 s2, s29  }
0x5: {  	s1 =	rddreg [dreg:$0x1];
	s2 =	simm.s32 $0x0;
	s3 =	sshrl.u32 s16, $0x3  }
0x6: {  	[smem:$0x7FF] =	sst s2;
	s3 =	sadd.s32 s3, s15  }
0x7: {  	_ =	strace $0x80000047;
	s4 =	sadd.s32 $0x3E3200, s3;
	s3 =	simm.s32 $0x2  }
0x8: {  	[tilespmem:s2], [sflag:$0x2] =	stream.linear.gather [hbm4b:s4+s2], $0x200, $0x38;
	[tilespmem:$0x10200] =	vst v63  }
0x9: {  	_ =	swait.ge [sflag:s3], $0x200  }
0xa: {  	s6 =	simm.s32 $0x80;
	[sflag:s3] =	ssyncset.done $0x0  }
0xb: {  	s7 =	simm.s32 $0x200;
	s5 =	sadd.s32 $0x3200, s15;
	[sflag:s3] =	ssyncadd.s32 $0xFFFFFE00  }
0xc: {  	[tilespmem:s7], [sflag:$0x1] =	stream.indirect.gather [hbm4b:s5+s6], $0x80, s2, s6, $0xb8;
	[tilespmem:$0x10200] =	vst v63  }
0xd: {  	s8 =	simm.s32 $0x4200  }
0xe: {  	[tilespmem:s8], [sflag:$0x1] =	stream.indirect.gather [hbm4b:s5+s6], $0x80, s6, s6, $0xb8;
	[tilespmem:$0x10200] =	vst v63  }
0xf: {  	s9 =	simm.s32 $0x100;
	s10 =	simm.s32 $0x8200  }
0x10: {  	[tilespmem:s10], [sflag:$0x1] =	stream.indirect.gather [hbm4b:s5+s6], $0x80, s9, s6, $0xb8;
	[tilespmem:$0x10200] =	vst v63  }
0x11: {  	s11 =	simm.s32 $0x180;
	s12 =	simm.s32 $0xC200;
	s13 =	simm.s32 $0x1  }
0x12: {  	[tilespmem:s12], [sflag:$0x1] =	stream.indirect.gather [hbm4b:s5+s6], $0x80, s11, s6, $0xb8;
	[tilespmem:$0x10200] =	vst v63  }
0x13: {  	_ =	swait.ge [sflag:s13], $0x4000  }
0x14: {  	[sflag:s13] =	ssyncset.done $0x0  }
0x15: {  	[sflag:s13] =	ssyncadd.s32 $0xFFFFC000  }
0x16: {  	_ =	swait.ge [sflag:s13], $0x4000  }
0x17: {  	[sflag:s13] =	ssyncset.done $0x0  }
0x18: {  	s14 =	ssub.s32 $0x2, s14;
	[sflag:s13] =	ssyncadd.s32 $0xFFFFC000  }
0x19: {  	s17 =	sshrl.u32 s14, $0x1;
	_ =	swait.ge [sflag:s13], $0x4000  }
0x1a: {  	s30 =	ssub.s32 s14, s17;
	[sflag:s13] =	ssyncset.done $0x0  }
0x1b: {  	s31 =	smax.u32 s30, $0x1;
	[sflag:s13] =	ssyncadd.s32 $0xFFFFC000  }
0x1c: {  	s16 =	sshll.u32 s16, $0x4;
	p0 =	sne.s32 s31, $0x1;
	_ =	swait.ge [sflag:s13], $0x4000  }
.Ltmp0:
0x1d: {  	s15 =	sadd.s32 s16, s15;
	[sflag:s13] =	ssyncset.done $0x0;
	(pc) =	sbr.rel @!p0 .LBB2_2-.Ltmp0, $4  }
0x1e: {  	s14 =	sadd.s32 $0x3E4200, s15;
	[sflag:s13] =	ssyncadd.s32 $0xFFFFC000  }
0x1f: {  	[hbm4b:s14+s2] =	stream.linear.scatter [tilespmem:s7], [sflag:$0x2], $0x10000, $0x38;
	[tilespmem:$0x10200] =	vst v63  }
0x20: {  	_ =	swait.ge [sflag:s3], $0x10000  }
0x21: {  	s15 =	sadd.s32 $0xFFFFFFFF, s31;
	[sflag:s3] =	ssyncset.done $0x0  }
.LBB2_1:
0x22: {  	p0 =	sne.s32 s15, $0x1;
	s15 =	sadd.s32 $0xFFFFFFFF, s15;
	[sflag:s3] =	ssyncadd.s32 $0xFFFF0000  }
0x23: {  	[tilespmem:s2], [sflag:$0x2] =	stream.linear.gather [hbm4b:s4+s2], $0x200, $0x38;
	[tilespmem:$0x10200] =	vst v63  }
0x24: {  	_ =	swait.ge [sflag:s3], $0x200  }
0x25: {  	[sflag:s3] =	ssyncset.done $0x0  }
0x26: {  	[sflag:s3] =	ssyncadd.s32 $0xFFFFFE00  }
0x27: {  	[tilespmem:s7], [sflag:$0x1] =	stream.indirect.gather [hbm4b:s5+s6], $0x80, s2, s6, $0xb8;
	[tilespmem:$0x10200] =	vst v63  }
0x28: {  	_ = 	snop  }
0x29: {  	[tilespmem:s8], [sflag:$0x1] =	stream.indirect.gather [hbm4b:s5+s6], $0x80, s6, s6, $0xb8;
	[tilespmem:$0x10200] =	vst v63  }
0x2a: {  	_ = 	snop  }
0x2b: {  	[tilespmem:s10], [sflag:$0x1] =	stream.indirect.gather [hbm4b:s5+s6], $0x80, s9, s6, $0xb8;
	[tilespmem:$0x10200] =	vst v63  }
0x2c: {  	_ = 	snop  }
0x2d: {  	[tilespmem:s12], [sflag:$0x1] =	stream.indirect.gather [hbm4b:s5+s6], $0x80, s11, s6, $0xb8;
	[tilespmem:$0x10200] =	vst v63  }
0x2e: {  	_ =	swait.ge [sflag:s13], $0x4000  }
0x2f: {  	[sflag:s13] =	ssyncset.done $0x0  }
0x30: {  	[sflag:s13] =	ssyncadd.s32 $0xFFFFC000  }
0x31: {  	_ =	swait.ge [sflag:s13], $0x4000  }
0x32: {  	[sflag:s13] =	ssyncset.done $0x0  }
0x33: {  	[sflag:s13] =	ssyncadd.s32 $0xFFFFC000  }
0x34: {  	_ =	swait.ge [sflag:s13], $0x4000  }
0x35: {  	[sflag:s13] =	ssyncset.done $0x0  }
0x36: {  	[sflag:s13] =	ssyncadd.s32 $0xFFFFC000  }
0x37: {  	_ =	swait.ge [sflag:s13], $0x4000  }
.Ltmp1:
0x38: {  	[sflag:s13] =	ssyncset.done $0x0;
	(pc) =	sbr.rel @p0 .LBB2_1-.Ltmp1, $4  }
0x39: {  	[sflag:s13] =	ssyncadd.s32 $0xFFFFC000  }
0x3a: {  	[hbm4b:s14+s2] =	stream.linear.scatter [tilespmem:s7], [sflag:$0x2], $0x10000, $0x38;
	[tilespmem:$0x10200] =	vst v63  }
0x3b: {  	_ =	swait.ge [sflag:s3], $0x10000  }
0x3c: {  	[sflag:s3] =	ssyncset.done $0x0  }
.LBB2_2:
0x3d: {  	[sflag:s3] =	ssyncadd.s32 $0xFFFF0000  }
0x3e: {  	_ =	sfence.sel $0x180000  }
0x3f: {  	[bflag:$0x0] =	sbarrier.arrive $0xFFFF  }
0x40: {  	p0 =	sne.s32 s0, $0x0;
	_ =	strace $0x90000047  }
0x41: {  	s0 =	sadd.s32 @!p0 $0x100000, s1;
	[bflag:$0x2] =	sbarrier.arrive $0xFFFF  }
0x42: {  	[sflag:s0] =	ssyncadd.tile.s32 @!p0 $0x1;
	_ =	shalt  }
.Lfunc_end2:
_tile_overlayer_lowered:
.L_overlay_start_2:
0x43: {  	(tag) =	ssettag $0x2  }
0x44: {  	s0 =	rddreg [dreg:$0x0];
	s2 =	stileid.u32  }
0x45: {  	s1 =	rddreg [dreg:$0x1];
	p0 =	sne.s32 s2, $0x0  }
0x46: {  	s3 =	rddreg [dreg:$0x2];
	[bflag:$0x3] =	sbarrier.arrive $0xFFFF;
	s2 =	simm.s32 @!p0 $0x1C02  }
0x47: {  	[timem:s3], [sflag:s2] =	dma.local @!p0 [hbm:s0], s1  }
0x48: {  	s0 =	simm.s32 @!p0 $0x2  }
0x49: {  	_ =	swait.ge @!p0 [sflag:s0], s1  }
0x4a: {  	s1 =	ssub.s32 @!p0 $0x0, s1;
	[sflag:s0] =	ssyncset.done @!p0 $0x0  }
0x4b: {  	[sflag:s0] =	ssyncadd.s32 @!p0 s1  }
0x4c: {  	[bflag:$0x3] =	sbarrier.arrive $0xFFFF  }
0x4d: {  	_ =	shalt  }

</sc_bundles>
